<compile_context>
chip_gen: v7x
topology: tpu7x:2x2x1
jax: 0.10.2.dev20260603
libtpu: 0.0.44.dev20260713+nightly
codegen_flags: <defaults>
</compile_context>

<pallas_src>
import functools

import jax
import jax.numpy as jnp
from jax import lax
from jax.experimental import pallas as pl
from jax.experimental.pallas import tpu as pltpu
from jax.experimental.pallas import tpu_sc as plsc

_NMS_THR = 0.5
_SCORE_THR = 0.05
_MAX_DET = 300
_NEG = -1e30
_OUT_PAD = 320
_CHUNK = 80


def _prep_body(cls_ref, box_ref, s_ref, lab_ref, x1_ref, y1_ref, x2_ref, y2_ref):
  cls = cls_ref[...]
  m = jnp.max(cls, axis=2)
  iota_c = lax.broadcasted_iota(jnp.int32, cls.shape, 2).astype(jnp.float32)
  lab = jnp.min(jnp.where(cls == m[:, :, None], iota_c, 1e9), axis=2)
  s_ref[...] = jnp.where(m > _SCORE_THR, m, _NEG)[:, None, None, :]
  lab_ref[...] = lab[:, None, None, :]
  box = box_ref[...]
  x1_ref[...] = box[:, None, None, :, 0]
  y1_ref[...] = box[:, None, None, :, 1]
  x2_ref[...] = box[:, None, None, :, 2]
  y2_ref[...] = box[:, None, None, :, 3]


def _nms_body(s_in_ref, x1_ref, y1_ref, x2_ref, y2_ref,
              ox1_ref, oy1_ref, ox2_ref, oy2_ref,
              osc_ref, oidx_ref, oval_ref,
              s_ref, area_ref):
  B, N = s_in_ref.shape
  s_ref[...] = s_in_ref[...]
  area_ref[...] = (x2_ref[...] - x1_ref[...]) * (y2_ref[...] - y1_ref[...])
  iota_n = lax.broadcasted_iota(jnp.int32, (B, N), 1).astype(jnp.float32)
  iota_o = lax.broadcasted_iota(jnp.int32, (B, _OUT_PAD), 1)
  for r in (ox1_ref, oy1_ref, ox2_ref, oy2_ref, osc_ref, oval_ref):
    r[...] = jnp.full((B, _OUT_PAD), -1.0, jnp.float32)
  oidx_ref[...] = jnp.zeros((B, _OUT_PAD), jnp.float32)

  def body(i, carry):
    s = s_ref[...]
    best = jnp.max(s, axis=1, keepdims=True)
    valid = best > (_NEG / 2)
    bidx = jnp.min(jnp.where(s == best, iota_n, 1e9), axis=1, keepdims=True)
    pos = iota_n == bidx

    def pick(a):
      return jnp.max(jnp.where(pos, a, -jnp.inf), axis=1, keepdims=True)

    x1, y1, x2, y2 = x1_ref[...], y1_ref[...], x2_ref[...], y2_ref[...]
    bx1, by1, bx2, by2 = pick(x1), pick(y1), pick(x2), pick(y2)
    barea = (bx2 - bx1) * (by2 - by1)

    xx1 = jnp.maximum(bx1, x1)
    yy1 = jnp.maximum(by1, y1)
    xx2 = jnp.minimum(bx2, x2)
    yy2 = jnp.minimum(by2, y2)
    inter = jnp.maximum(xx2 - xx1, 0.0) * jnp.maximum(yy2 - yy1, 0.0)
    area = area_ref[...]
    iou = inter / jnp.maximum(barea + area - inter, 1e-8)
    suppress = (iou > _NMS_THR) | pos
    s_ref[...] = jnp.where(suppress & valid, _NEG, s)

    col = iota_o == i
    colv = col & valid
    ox1_ref[...] = jnp.where(colv, bx1, ox1_ref[...])
    oy1_ref[...] = jnp.where(colv, by1, oy1_ref[...])
    ox2_ref[...] = jnp.where(colv, bx2, ox2_ref[...])
    oy2_ref[...] = jnp.where(colv, by2, oy2_ref[...])
    osc_ref[...] = jnp.where(colv, best, osc_ref[...])
    oidx_ref[...] = jnp.where(col, bidx, oidx_ref[...])
    oval_ref[...] = jnp.where(colv, 1.0, oval_ref[...])
    return carry

  lax.fori_loop(0, _MAX_DET, body, 0)


def _rowwise_arg_max(rows_v, ncols, r0, iota16):
  rows16 = iota16 + r0

  def col(j, st):
    m, marg = st
    g = plsc.load_gather(rows_v, [rows16, jnp.full((16,), 0, jnp.int32) + j])
    upd = g > m
    m = jnp.where(upd, g, m)
    marg = jnp.where(upd, jnp.full((16,), 0.0) + j.astype(jnp.float32), marg)
    return m, marg

  init = (jnp.full((16,), -jnp.inf, jnp.float32), jnp.zeros((16,), jnp.float32))
  return lax.fori_loop(0, ncols, col, init)


def _sc_sel_body(lab_hbm, rel_hbm, idx_hbm, val_hbm,
                 olab_hbm, ops_hbm, opl_hbm,
                 idx_v, val_v, idxg_v, idxe_v, plane_v, rbuf_v,
                 olab_v, ops_v, opl_v, sem):
  N = lab_hbm.shape[1]
  R = rel_hbm.shape[0] // (8 * N)
  wid = lax.axis_index("s") * 2 + lax.axis_index("c")
  b = wid // 4
  off = b * _OUT_PAD + (wid % 4) * _CHUNK
  iota16 = lax.iota(jnp.int32, 16)

  pltpu.sync_copy(idx_hbm.at[pl.ds(off, _CHUNK)], idx_v)
  pltpu.sync_copy(val_hbm.at[pl.ds(off, _CHUNK)], val_v)
  for j in range(0, _CHUNK, 16):
    iv = idx_v[pl.ds(j, 16)].astype(jnp.int32) + b * N
    idxg_v[pl.ds(j, 16)] = iv
  pltpu.sync_copy(lab_hbm.at[b], plane_v)

  def fill_idx(j, carry):
    for k in range(0, _CHUNK, 16):
      base = idxg_v[pl.ds(k, 16)] * R + j
      idxe_v[pl.ds(j * _CHUNK + k, 16)] = base
    return carry
  lax.fori_loop(0, R, fill_idx, 0)

  def fire(j, carry):
    pltpu.async_copy(rel_hbm.at[idxe_v.at[pl.ds(j * _CHUNK, _CHUNK)]],
                     rbuf_v.at[pl.ds(j * _CHUNK, _CHUNK)], sem)
    return carry
  lax.fori_loop(0, R, fire, 0)
  pltpu.make_async_copy(rel_hbm.at[pl.ds(0, R * _CHUNK)], rbuf_v, sem).wait()

  for r0 in range(0, _CHUNK, 16):
    vv = val_v[pl.ds(r0, 16)] > 0.0
    clab = plsc.load_gather(plane_v, [idx_v[pl.ds(r0, 16)].astype(jnp.int32)])

    def rcol(j, st):
      m, marg = st
      g = rbuf_v[pl.ds(j * _CHUNK + r0, 16)]
      upd = g > m
      m = jnp.where(upd, g, m)
      marg = jnp.where(upd, jnp.full((16,), 0.0) + j.astype(jnp.float32), marg)
      return m, marg
    rmax, rlab = lax.fori_loop(
        0, R, rcol,
        (jnp.full((16,), -jnp.inf, jnp.float32), jnp.zeros((16,), jnp.float32)))

    olab_v[pl.ds(r0, 16)] = jnp.where(vv, clab, -1.0)
    ops_v[pl.ds(r0, 16)] = jnp.where(vv, rmax, -1.0)
    opl_v[pl.ds(r0, 16)] = jnp.where(vv, rlab, -1.0)

  pltpu.sync_copy(olab_v, olab_hbm.at[pl.ds(off, _CHUNK)])
  pltpu.sync_copy(ops_v, ops_hbm.at[pl.ds(off, _CHUNK)])
  pltpu.sync_copy(opl_v, opl_hbm.at[pl.ds(off, _CHUNK)])


def kernel(boxes, classification, relationship):
  B, N, C = classification.shape
  R = relationship.shape[2]
  NB = 2000
  G = N // NB
  fbn = jax.ShapeDtypeStruct((B, G, 1, NB), jnp.float32)

  planes = pl.pallas_call(
      _prep_body,
      grid=(B, G),
      in_specs=[
          pl.BlockSpec((1, NB, C), lambda b, i: (b, i, 0)),
          pl.BlockSpec((1, NB, 4), lambda b, i: (b, i, 0)),
      ],
      out_specs=[pl.BlockSpec((1, 1, 1, NB), lambda b, i: (b, i, 0, 0))] * 6,
      out_shape=[fbn] * 6,
  )(classification, boxes)
  s, lab, x1, y1, x2, y2 = [p.reshape(B, N) for p in planes]

  fout = jax.ShapeDtypeStruct((B, _OUT_PAD), jnp.float32)
  nouts = pl.pallas_call(
      _nms_body,
      out_shape=[fout] * 7,
      scratch_shapes=[pltpu.VMEM((B, N), jnp.float32)] * 2,
  )(s, x1, y1, x2, y2)
  ox1, oy1, ox2, oy2, osc, oidx, oval = nouts

  mesh = plsc.VectorSubcoreMesh(core_axis_name="c", subcore_axis_name="s")
  sc_sel = functools.partial(
      pl.kernel,
      mesh=mesh,
      out_type=[jax.ShapeDtypeStruct((B * _OUT_PAD,), jnp.float32)] * 3,
      compiler_params=pltpu.CompilerParams(needs_layout_passes=False, use_tc_tiling_on_sc=False),
      scratch_types=[
          pltpu.VMEM((_CHUNK,), jnp.float32),
          pltpu.VMEM((_CHUNK,), jnp.float32),
          pltpu.VMEM((_CHUNK,), jnp.int32),
          pltpu.VMEM((R * _CHUNK,), jnp.int32),
          pltpu.VMEM((N,), jnp.float32),
          pltpu.VMEM((R * _CHUNK,), jnp.float32),
          pltpu.VMEM((_CHUNK,), jnp.float32),
          pltpu.VMEM((_CHUNK,), jnp.float32),
          pltpu.VMEM((_CHUNK,), jnp.float32),
          pltpu.SemaphoreType.DMA,
      ],
  )(_sc_sel_body)
  olab, ops_, opl = [o.reshape(B, _OUT_PAD) for o in sc_sel(
      lab, relationship.reshape(B * N * R),
      oidx.reshape(B * _OUT_PAD), oval.reshape(B * _OUT_PAD))]

  boxes_out = jnp.stack([ox1[:, :_MAX_DET], oy1[:, :_MAX_DET],
                         ox2[:, :_MAX_DET], oy2[:, :_MAX_DET]], axis=-1)
  return (boxes_out, osc[:, :_MAX_DET], olab[:, :_MAX_DET].astype(jnp.int32),
          ops_[:, :_MAX_DET], opl[:, :_MAX_DET].astype(jnp.int32))

# --- scband reference (transcript-rebuilt; emitter-appended) ---
"""Pipeline reference for scband-filter-detections-39281770889652 (READ-ONLY COPY).

The authoritative reference and input builder live on the scoring server;
editing this copy changes nothing except your own understanding.
"""

import jax, jax.numpy as jnp
import numpy as np

NMS_THRESHOLD = 0.5
SCORE_THRESHOLD = 0.05
MAX_DETECTIONS = 300
NEG = -1e30


def setup_inputs(seed: int = 0) -> dict:
    key = jax.random.key(seed)
    kb, kw, kc, kr = jax.random.split(key, 4)
    B, N, C, R = 8, 20000, 80, 50
    xy = jax.random.uniform(kb, (B, N, 2), minval=0.0, maxval=512.0)
    wh = jax.random.uniform(kw, (B, N, 2), minval=1.0, maxval=100.0)
    boxes = jnp.concatenate([xy, xy + wh], axis=-1).astype(jnp.float32)
    classification = jax.random.uniform(kc, (B, N, C), dtype=jnp.float32)
    relationship = jax.random.uniform(kr, (B, N, R), dtype=jnp.float32)
    return {"boxes": boxes, "classification": classification, "relationship": relationship}


def _iou_one_vs_all(box, boxes):
    x1 = jnp.maximum(box[0], boxes[:, 0])
    y1 = jnp.maximum(box[1], boxes[:, 1])
    x2 = jnp.minimum(box[2], boxes[:, 2])
    y2 = jnp.minimum(box[3], boxes[:, 3])
    inter = jnp.clip(x2 - x1, 0.0, None) * jnp.clip(y2 - y1, 0.0, None)
    area1 = (box[2] - box[0]) * (box[3] - box[1])
    area2 = (boxes[:, 2] - boxes[:, 0]) * (boxes[:, 3] - boxes[:, 1])
    return inter / jnp.maximum(area1 + area2 - inter, 1e-8)


def _nms_indices(boxes, scores):
    # score-threshold prefilter (fixed-shape via masking) + greedy NMS,
    # equivalent to tf.image.non_max_suppression with max_output_size=MAX_DETECTIONS
    N = boxes.shape[0]
    s = jnp.where(scores > SCORE_THRESHOLD, scores, NEG)
    arange_n = jnp.arange(N)

    def body(i, state):
        s_cur, keep_idx, keep_valid = state
        best = jnp.argmax(s_cur)
        best_score = s_cur[best]
        valid = best_score > (NEG / 2)
        keep_idx = keep_idx.at[i].set(jnp.where(valid, best.astype(jnp.int32), 0))
        keep_valid = keep_valid.at[i].set(valid)
        ious = _iou_one_vs_all(boxes[best], boxes)
        suppress = (ious > NMS_THRESHOLD) | (arange_n == best)
        s_cur = jnp.where(suppress & valid, NEG, s_cur)
        s_cur = jnp.where(valid, s_cur, s_cur)  # no-op branch keep
        return s_cur, keep_idx, keep_valid

    init = (s, jnp.zeros((MAX_DETECTIONS,), jnp.int32), jnp.zeros((MAX_DETECTIONS,), bool))
    _, keep_idx, keep_valid = jax.lax.fori_loop(0, MAX_DETECTIONS, body, init)
    return keep_idx, keep_valid


def _filter_one(boxes, classification, relationship):
    # class_specific_filter=False path: take best class per box, then NMS
    scores_all = jnp.max(classification, axis=1)
    labels_all = jnp.argmax(classification, axis=1)
    keep_idx, keep_valid = _nms_indices(jax.lax.stop_gradient(boxes), jax.lax.stop_gradient(scores_all))

    sel_labels = labels_all[keep_idx]
    sel_scores = classification[keep_idx, sel_labels]  # gather_nd(classification, indices)
    sel_scores = jnp.where(keep_valid, sel_scores, NEG)
    top_scores, top_idx = jax.lax.top_k(sel_scores, MAX_DETECTIONS)
    top_scores = jax.lax.stop_gradient(top_scores)
    top_idx = jax.lax.stop_gradient(top_idx)
    indices = keep_idx[top_idx]
    valid = keep_valid[top_idx]

    boxes_out = jnp.where(valid[:, None], boxes[indices], -1.0)
    scores_out = jnp.where(valid, top_scores, -1.0)
    labels_out = jnp.where(valid, sel_labels[top_idx].astype(jnp.int32), -1).astype(jnp.int32)

    pred = relationship[indices]
    pred_labels = jnp.argmax(pred, axis=1)
    pred_scores = jnp.max(pred, axis=1)
    pred_scores = jnp.where(valid, pred_scores, -1.0)
    pred_labels = jnp.where(valid, pred_labels.astype(jnp.int32), -1).astype(jnp.int32)
    return boxes_out, scores_out, labels_out, pred_scores, pred_labels


def reference(boxes, classification, relationship):
    return jax.vmap(_filter_one)(boxes, classification, relationship)

if __name__ == "__main__":
    import jax
    _d = setup_inputs()
    print(jax.jit(kernel)(*tuple(_d.values())))

</pallas_src>

<mosaic_0001>
#map = affine_map<(d0, d1) -> (0, 0)>
#map1 = affine_map<(d0, d1) -> (0)>
module attributes {stable_mosaic.version = 14 : i64} {
  func.func @_sc_sel_body(%arg0: i32, %arg1: i32, %arg2: memref<8x20000xf32, #tpu.memory_space<hbm>>, %arg3: memref<8000000xf32, #tpu.memory_space<hbm>>, %arg4: memref<2560xf32, #tpu.memory_space<hbm>>, %arg5: memref<2560xf32, #tpu.memory_space<hbm>>, %arg6: memref<2560xf32, #tpu.memory_space<hbm>>, %arg7: memref<2560xf32, #tpu.memory_space<hbm>>, %arg8: memref<2560xf32, #tpu.memory_space<hbm>>, %arg9: memref<80xf32, #tpu.memory_space<vmem>>, %arg10: memref<80xf32, #tpu.memory_space<vmem>>, %arg11: memref<80xi32, #tpu.memory_space<vmem>>, %arg12: memref<4000xi32, #tpu.memory_space<vmem>>, %arg13: memref<20000xf32, #tpu.memory_space<vmem>>, %arg14: memref<4000xf32, #tpu.memory_space<vmem>>, %arg15: memref<80xf32, #tpu.memory_space<vmem>>, %arg16: memref<80xf32, #tpu.memory_space<vmem>>, %arg17: memref<80xf32, #tpu.memory_space<vmem>>, %arg18: memref<!tpu.dma_semaphore, #tpu.memory_space<semaphore_mem>>) attributes {dimension_semantics = [#tpu.dimension_semantics<core_parallel>, #tpu.dimension_semantics<subcore_parallel>], iteration_bounds = array<i64: 2, 16>, scalar_prefetch = 0 : i64, scratch_operands = 10 : i64, tpu.core_type = #tpu.core_type<sc_vector_subcore>, window_params = [{transform_indices = #map}, {transform_indices = #map1}, {transform_indices = #map1}, {transform_indices = #map1}, {transform_indices = #map1}, {transform_indices = #map1}, {transform_indices = #map1}]} {
    %mul3A = arith.constant 2 : i32
    %mul3A_0 = arith.muli %arg1, %mul3A : i32
    %add3A = arith.addi %mul3A_0, %arg0 : i32
    %jit3A = arith.constant 4 : i32
    %div3A = arith.divsi %add3A, %jit3A : i32
    %sign3A = arith.constant 0 : i32
    %sign3A_1 = arith.cmpi sgt, %add3A, %sign3A : i32
    %sign3A_2 = arith.extui %sign3A_1 : i1 to i32
    %sign3A_3 = arith.constant 0 : i32
    %sign3A_4 = arith.cmpi slt, %add3A, %sign3A_3 : i32
    %sign3A_5 = arith.extui %sign3A_4 : i1 to i32
    %sign3A_6 = arith.subi %sign3A_2, %sign3A_5 : i32
    %sign3A_7 = arith.constant 0 : i32
    %sign3A_8 = arith.cmpi sgt, %jit3A, %sign3A_7 : i32
    %sign3A_9 = arith.extui %sign3A_8 : i1 to i32
    %sign3A_10 = arith.constant 0 : i32
    %sign3A_11 = arith.cmpi slt, %jit3A, %sign3A_10 : i32
    %sign3A_12 = arith.extui %sign3A_11 : i1 to i32
    %sign3A_13 = arith.subi %sign3A_9, %sign3A_12 : i32
    %ne3A = arith.cmpi ne, %sign3A_6, %sign3A_13 : i32
    %rem3A = arith.remsi %add3A, %jit3A : i32
    %ne3A_14 = arith.constant 0 : i32
    %ne3A_15 = arith.cmpi ne, %rem3A, %ne3A_14 : i32
    %and3A = arith.andi %ne3A, %ne3A_15 : i1
    %sub3A = arith.constant 1 : i32
    %sub3A_16 = arith.subi %div3A, %sub3A : i32
    %select_n3A = arith.select %and3A, %sub3A_16, %div3A : i32
    %mul3A_17 = arith.constant 320 : i32
    %mul3A_18 = arith.muli %select_n3A, %mul3A_17 : i32
    %jit3A_19 = arith.constant 4 : i32
    %eq3A = arith.constant 0 : i32
    %eq3A_20 = arith.cmpi eq, %jit3A_19, %eq3A : i32
    %jit3A_21 = arith.constant 1 : i32
    %select_n3A_22 = arith.select %eq3A_20, %jit3A_21, %jit3A_19 : i32
    %rem3A_23 = arith.remsi %add3A, %select_n3A_22 : i32
    %ne3A_24 = arith.constant 0 : i32
    %ne3A_25 = arith.cmpi ne, %rem3A_23, %ne3A_24 : i32
    %lt3A = arith.constant 0 : i32
    %lt3A_26 = arith.cmpi slt, %rem3A_23, %lt3A : i32
    %lt3A_27 = arith.constant 0 : i32
    %lt3A_28 = arith.cmpi slt, %select_n3A_22, %lt3A_27 : i32
    %ne3A_29 = arith.xori %lt3A_26, %lt3A_28 : i1
    %and3A_30 = arith.andi %ne3A_29, %ne3A_25 : i1
    %add3A_31 = arith.addi %rem3A_23, %select_n3A_22 : i32
    %select_n3A_32 = arith.select %and3A_30, %add3A_31, %rem3A_23 : i32
    %mul3A_33 = arith.constant 80 : i32
    %mul3A_34 = arith.muli %select_n3A_32, %mul3A_33 : i32
    %add3A_35 = arith.addi %mul3A_18, %mul3A_34 : i32
    %iota3A = tpu.iota {dimensions = array<i32: 0>} : vector<16xi32>
    "tpu.region"() ({
      %run_scoped3A = tpu.sem_alloc : memref<!tpu.dma_semaphore, #tpu.memory_space<semaphore_mem>>
      %dma_start3A = tpu.memref_slice %arg4[%add3A_35] : memref<2560xf32, #tpu.memory_space<hbm>> -> memref<80xf32, #tpu.memory_space<hbm>>
      %dma_start3A_259 = tpu.memref_slice %arg4[%add3A_35] : memref<2560xf32, #tpu.memory_space<hbm>> -> memref<80xf32, #tpu.memory_space<hbm>>
      tpu.enqueue_dma source(%dma_start3A_259 : memref<80xf32, #tpu.memory_space<hbm>>) target(%arg9 : memref<80xf32, #tpu.memory_space<vmem>>) target_semaphore(%run_scoped3A : memref<!tpu.dma_semaphore, #tpu.memory_space<semaphore_mem>>)
      %dma_wait3A_260 = tpu.memref_slice %arg4[%add3A_35] : memref<2560xf32, #tpu.memory_space<hbm>> -> memref<80xf32, #tpu.memory_space<hbm>>
      %dma_wait3A_261 = tpu.memref_slice %arg4[%add3A_35] : memref<2560xf32, #tpu.memory_space<hbm>> -> memref<80xf32, #tpu.memory_space<hbm>>
      tpu.wait_dma2 semaphore(%run_scoped3A : memref<!tpu.dma_semaphore, #tpu.memory_space<semaphore_mem>>) src(%dma_wait3A_261 : memref<80xf32, #tpu.memory_space<hbm>>) dst(%arg9 : memref<80xf32, #tpu.memory_space<vmem>>)
      tpu.yield
    }) : () -> ()
    "tpu.region"() ({
      %run_scoped3A = tpu.sem_alloc : memref<!tpu.dma_semaphore, #tpu.memory_space<semaphore_mem>>
      %dma_start3A = tpu.memref_slice %arg5[%add3A_35] : memref<2560xf32, #tpu.memory_space<hbm>> -> memref<80xf32, #tpu.memory_space<hbm>>
      %dma_start3A_259 = tpu.memref_slice %arg5[%add3A_35] : memref<2560xf32, #tpu.memory_space<hbm>> -> memref<80xf32, #tpu.memory_space<hbm>>
      tpu.enqueue_dma source(%dma_start3A_259 : memref<80xf32, #tpu.memory_space<hbm>>) target(%arg10 : memref<80xf32, #tpu.memory_space<vmem>>) target_semaphore(%run_scoped3A : memref<!tpu.dma_semaphore, #tpu.memory_space<semaphore_mem>>)
      %dma_wait3A_260 = tpu.memref_slice %arg5[%add3A_35] : memref<2560xf32, #tpu.memory_space<hbm>> -> memref<80xf32, #tpu.memory_space<hbm>>
      %dma_wait3A_261 = tpu.memref_slice %arg5[%add3A_35] : memref<2560xf32, #tpu.memory_space<hbm>> -> memref<80xf32, #tpu.memory_space<hbm>>
      tpu.wait_dma2 semaphore(%run_scoped3A : memref<!tpu.dma_semaphore, #tpu.memory_space<semaphore_mem>>) src(%dma_wait3A_261 : memref<80xf32, #tpu.memory_space<hbm>>) dst(%arg10 : memref<80xf32, #tpu.memory_space<vmem>>)
      tpu.yield
    }) : () -> ()
    %get3A = arith.constant 0 : index
    %get3A_36 = tpu.vector_load %arg9[%get3A] {strides = array<i32>} : memref<80xf32, #tpu.memory_space<vmem>>, vector<16xf32>,
    %convert_element_type3A = arith.fptosi %get3A_36 : vector<16xf32> to vector<16xi32>
    %mul3A_37 = arith.constant 20000 : i32
    %mul3A_38 = arith.muli %select_n3A, %mul3A_37 : i32
    %add3A_39 = vector.broadcast %mul3A_38 : i32 to vector<16xi32>
    %add3A_40 = arith.addi %convert_element_type3A, %add3A_39 : vector<16xi32>
    %swap3A = arith.constant 0 : index
    %swap3A_41 = tpu.vector_load %arg11[%swap3A] {strides = array<i32>} : memref<80xi32, #tpu.memory_space<vmem>>, vector<16xi32>,
    tpu.vector_store %arg11[%swap3A], %add3A_40 {strides = array<i32>} : memref<80xi32, #tpu.memory_space<vmem>>, vector<16xi32>,
    %get3A_42 = arith.constant 16 : index
    %get3A_43 = tpu.vector_load %arg9[%get3A_42] {strides = array<i32>} : memref<80xf32, #tpu.memory_space<vmem>>, vector<16xf32>,
    %convert_element_type3A_44 = arith.fptosi %get3A_43 : vector<16xf32> to vector<16xi32>
    %mul3A_45 = arith.constant 20000 : i32
    %mul3A_46 = arith.muli %select_n3A, %mul3A_45 : i32
    %add3A_47 = vector.broadcast %mul3A_46 : i32 to vector<16xi32>
    %add3A_48 = arith.addi %convert_element_type3A_44, %add3A_47 : vector<16xi32>
    %swap3A_49 = arith.constant 16 : index
    %swap3A_50 = tpu.vector_load %arg11[%swap3A_49] {strides = array<i32>} : memref<80xi32, #tpu.memory_space<vmem>>, vector<16xi32>,
    tpu.vector_store %arg11[%swap3A_49], %add3A_48 {strides = array<i32>} : memref<80xi32, #tpu.memory_space<vmem>>, vector<16xi32>,
    %get3A_51 = arith.constant 32 : index
    %get3A_52 = tpu.vector_load %arg9[%get3A_51] {strides = array<i32>} : memref<80xf32, #tpu.memory_space<vmem>>, vector<16xf32>,
    %convert_element_type3A_53 = arith.fptosi %get3A_52 : vector<16xf32> to vector<16xi32>
    %mul3A_54 = arith.constant 20000 : i32
    %mul3A_55 = arith.muli %select_n3A, %mul3A_54 : i32
    %add3A_56 = vector.broadcast %mul3A_55 : i32 to vector<16xi32>
    %add3A_57 = arith.addi %convert_element_type3A_53, %add3A_56 : vector<16xi32>
    %swap3A_58 = arith.constant 32 : index
    %swap3A_59 = tpu.vector_load %arg11[%swap3A_58] {strides = array<i32>} : memref<80xi32, #tpu.memory_space<vmem>>, vector<16xi32>,
    tpu.vector_store %arg11[%swap3A_58], %add3A_57 {strides = array<i32>} : memref<80xi32, #tpu.memory_space<vmem>>, vector<16xi32>,
    %get3A_60 = arith.constant 48 : index
    %get3A_61 = tpu.vector_load %arg9[%get3A_60] {strides = array<i32>} : memref<80xf32, #tpu.memory_space<vmem>>, vector<16xf32>,
    %convert_element_type3A_62 = arith.fptosi %get3A_61 : vector<16xf32> to vector<16xi32>
    %mul3A_63 = arith.constant 20000 : i32
    %mul3A_64 = arith.muli %select_n3A, %mul3A_63 : i32
    %add3A_65 = vector.broadcast %mul3A_64 : i32 to vector<16xi32>
    %add3A_66 = arith.addi %convert_element_type3A_62, %add3A_65 : vector<16xi32>
    %swap3A_67 = arith.constant 48 : index
    %swap3A_68 = tpu.vector_load %arg11[%swap3A_67] {strides = array<i32>} : memref<80xi32, #tpu.memory_space<vmem>>, vector<16xi32>,
    tpu.vector_store %arg11[%swap3A_67], %add3A_66 {strides = array<i32>} : memref<80xi32, #tpu.memory_space<vmem>>, vector<16xi32>,
    %get3A_69 = arith.constant 64 : index
    %get3A_70 = tpu.vector_load %arg9[%get3A_69] {strides = array<i32>} : memref<80xf32, #tpu.memory_space<vmem>>, vector<16xf32>,
    %convert_element_type3A_71 = arith.fptosi %get3A_70 : vector<16xf32> to vector<16xi32>
    %mul3A_72 = arith.constant 20000 : i32
    %mul3A_73 = arith.muli %select_n3A, %mul3A_72 : i32
    %add3A_74 = vector.broadcast %mul3A_73 : i32 to vector<16xi32>
    %add3A_75 = arith.addi %convert_element_type3A_71, %add3A_74 : vector<16xi32>
    %swap3A_76 = arith.constant 64 : index
    %swap3A_77 = tpu.vector_load %arg11[%swap3A_76] {strides = array<i32>} : memref<80xi32, #tpu.memory_space<vmem>>, vector<16xi32>,
    tpu.vector_store %arg11[%swap3A_76], %add3A_75 {strides = array<i32>} : memref<80xi32, #tpu.memory_space<vmem>>, vector<16xi32>,
    "tpu.region"() ({
      %run_scoped3A = tpu.sem_alloc : memref<!tpu.dma_semaphore, #tpu.memory_space<semaphore_mem>>
      %dma_start3A = arith.constant 0 : i32
      %dma_start3A_259 = tpu.memref_slice %arg2[%select_n3A, %dma_start3A] : memref<8x20000xf32, #tpu.memory_space<hbm>> -> memref<1x20000xf32, #tpu.memory_space<hbm>>
      %dma_start3A_260 = tpu.memref_squeeze %dma_start3A_259 : memref<1x20000xf32, #tpu.memory_space<hbm>> -> memref<20000xf32, #tpu.memory_space<hbm>>
      %dma_start3A_261 = arith.constant 0 : i32
      %dma_start3A_262 = tpu.memref_slice %arg2[%select_n3A, %dma_start3A_261] : memref<8x20000xf32, #tpu.memory_space<hbm>> -> memref<1x20000xf32, #tpu.memory_space<hbm>>
      %dma_start3A_263 = tpu.memref_squeeze %dma_start3A_262 : memref<1x20000xf32, #tpu.memory_space<hbm>> -> memref<20000xf32, #tpu.memory_space<hbm>>
      tpu.enqueue_dma source(%dma_start3A_263 : memref<20000xf32, #tpu.memory_space<hbm>>) target(%arg13 : memref<20000xf32, #tpu.memory_space<vmem>>) target_semaphore(%run_scoped3A : memref<!tpu.dma_semaphore, #tpu.memory_space<semaphore_mem>>)
      %dma_wait3A_264 = arith.constant 0 : i32
      %dma_wait3A_265 = tpu.memref_slice %arg2[%select_n3A, %dma_wait3A_264] : memref<8x20000xf32, #tpu.memory_space<hbm>> -> memref<1x20000xf32, #tpu.memory_space<hbm>>
      %dma_wait3A_266 = tpu.memref_squeeze %dma_wait3A_265 : memref<1x20000xf32, #tpu.memory_space<hbm>> -> memref<20000xf32, #tpu.memory_space<hbm>>
      %dma_wait3A_267 = arith.constant 0 : i32
      %dma_wait3A_268 = tpu.memref_slice %arg2[%select_n3A, %dma_wait3A_267] : memref<8x20000xf32, #tpu.memory_space<hbm>> -> memref<1x20000xf32, #tpu.memory_space<hbm>>
      %dma_wait3A_269 = tpu.memref_squeeze %dma_wait3A_268 : memref<1x20000xf32, #tpu.memory_space<hbm>> -> memref<20000xf32, #tpu.memory_space<hbm>>
      tpu.wait_dma2 semaphore(%run_scoped3A : memref<!tpu.dma_semaphore, #tpu.memory_space<semaphore_mem>>) src(%dma_wait3A_269 : memref<20000xf32, #tpu.memory_space<hbm>>) dst(%arg13 : memref<20000xf32, #tpu.memory_space<vmem>>)
      tpu.yield
    }) : () -> ()
    %scan3A = arith.constant 0 : i32
    %scan3A_78 = arith.constant 0 : i32
    %scan3A_79 = arith.constant 50 : i32
    %scan3A_80 = arith.addi %scan3A_78, %scan3A_79 : i32
    %scan3A_81 = arith.constant 1 : i32
    scf.for %scan3A_259 = %scan3A_78 to %scan3A_80 step %scan3A_81  : i32 {
      %get3A_260 = arith.constant 0 : index
      %get3A_261 = tpu.vector_load %arg11[%get3A_260] {strides = array<i32>} : memref<80xi32, #tpu.memory_space<vmem>>, vector<16xi32>,
      %mul3A_262 = arith.constant 50 : i32
      %mul3A_263 = vector.broadcast %mul3A_262 : i32 to vector<16xi32>
      %mul3A_264 = arith.muli %get3A_261, %mul3A_263 : vector<16xi32>
      %add3A_265 = vector.broadcast %scan3A_259 : i32 to vector<16xi32>
      %add3A_266 = arith.addi %mul3A_264, %add3A_265 : vector<16xi32>
      %mul3A_267 = arith.constant 80 : i32
      %mul3A_268 = arith.muli %scan3A_259, %mul3A_267 : i32
      %add3A_269 = arith.constant 0 : i32
      %add3A_270 = arith.addi %mul3A_268, %add3A_269 : i32
      %swap3A_271 = arith.index_cast %add3A_270 : i32 to index
      %swap3A_272 = tpu.vector_load %arg12[%swap3A_271] {strides = array<i32>} : memref<4000xi32, #tpu.memory_space<vmem>>, vector<16xi32>,
      tpu.vector_store %arg12[%swap3A_271], %add3A_266 {strides = array<i32>} : memref<4000xi32, #tpu.memory_space<vmem>>, vector<16xi32>,
      %get3A_273 = arith.constant 16 : index
      %get3A_274 = tpu.vector_load %arg11[%get3A_273] {strides = array<i32>} : memref<80xi32, #tpu.memory_space<vmem>>, vector<16xi32>,
      %mul3A_275 = arith.constant 50 : i32
      %mul3A_276 = vector.broadcast %mul3A_275 : i32 to vector<16xi32>
      %mul3A_277 = arith.muli %get3A_274, %mul3A_276 : vector<16xi32>
      %add3A_278 = vector.broadcast %scan3A_259 : i32 to vector<16xi32>
      %add3A_279 = arith.addi %mul3A_277, %add3A_278 : vector<16xi32>
      %mul3A_280 = arith.constant 80 : i32
      %mul3A_281 = arith.muli %scan3A_259, %mul3A_280 : i32
      %add3A_282 = arith.constant 16 : i32
      %add3A_283 = arith.addi %mul3A_281, %add3A_282 : i32
      %swap3A_284 = arith.index_cast %add3A_283 : i32 to index
      %swap3A_285 = tpu.vector_load %arg12[%swap3A_284] {strides = array<i32>} : memref<4000xi32, #tpu.memory_space<vmem>>, vector<16xi32>,
      tpu.vector_store %arg12[%swap3A_284], %add3A_279 {strides = array<i32>} : memref<4000xi32, #tpu.memory_space<vmem>>, vector<16xi32>,
      %get3A_286 = arith.constant 32 : index
      %get3A_287 = tpu.vector_load %arg11[%get3A_286] {strides = array<i32>} : memref<80xi32, #tpu.memory_space<vmem>>, vector<16xi32>,
      %mul3A_288 = arith.constant 50 : i32
      %mul3A_289 = vector.broadcast %mul3A_288 : i32 to vector<16xi32>
      %mul3A_290 = arith.muli %get3A_287, %mul3A_289 : vector<16xi32>
      %add3A_291 = vector.broadcast %scan3A_259 : i32 to vector<16xi32>
      %add3A_292 = arith.addi %mul3A_290, %add3A_291 : vector<16xi32>
      %mul3A_293 = arith.constant 80 : i32
      %mul3A_294 = arith.muli %scan3A_259, %mul3A_293 : i32
      %add3A_295 = arith.constant 32 : i32
      %add3A_296 = arith.addi %mul3A_294, %add3A_295 : i32
      %swap3A_297 = arith.index_cast %add3A_296 : i32 to index
      %swap3A_298 = tpu.vector_load %arg12[%swap3A_297] {strides = array<i32>} : memref<4000xi32, #tpu.memory_space<vmem>>, vector<16xi32>,
      tpu.vector_store %arg12[%swap3A_297], %add3A_292 {strides = array<i32>} : memref<4000xi32, #tpu.memory_space<vmem>>, vector<16xi32>,
      %get3A_299 = arith.constant 48 : index
      %get3A_300 = tpu.vector_load %arg11[%get3A_299] {strides = array<i32>} : memref<80xi32, #tpu.memory_space<vmem>>, vector<16xi32>,
      %mul3A_301 = arith.constant 50 : i32
      %mul3A_302 = vector.broadcast %mul3A_301 : i32 to vector<16xi32>
      %mul3A_303 = arith.muli %get3A_300, %mul3A_302 : vector<16xi32>
      %add3A_304 = vector.broadcast %scan3A_259 : i32 to vector<16xi32>
      %add3A_305 = arith.addi %mul3A_303, %add3A_304 : vector<16xi32>
      %mul3A_306 = arith.constant 80 : i32
      %mul3A_307 = arith.muli %scan3A_259, %mul3A_306 : i32
      %add3A_308 = arith.constant 48 : i32
      %add3A_309 = arith.addi %mul3A_307, %add3A_308 : i32
      %swap3A_310 = arith.index_cast %add3A_309 : i32 to index
      %swap3A_311 = tpu.vector_load %arg12[%swap3A_310] {strides = array<i32>} : memref<4000xi32, #tpu.memory_space<vmem>>, vector<16xi32>,
      tpu.vector_store %arg12[%swap3A_310], %add3A_305 {strides = array<i32>} : memref<4000xi32, #tpu.memory_space<vmem>>, vector<16xi32>,
      %get3A_312 = arith.constant 64 : index
      %get3A_313 = tpu.vector_load %arg11[%get3A_312] {strides = array<i32>} : memref<80xi32, #tpu.memory_space<vmem>>, vector<16xi32>,
      %mul3A_314 = arith.constant 50 : i32
      %mul3A_315 = vector.broadcast %mul3A_314 : i32 to vector<16xi32>
      %mul3A_316 = arith.muli %get3A_313, %mul3A_315 : vector<16xi32>
      %add3A_317 = vector.broadcast %scan3A_259 : i32 to vector<16xi32>
      %add3A_318 = arith.addi %mul3A_316, %add3A_317 : vector<16xi32>
      %mul3A_319 = arith.constant 80 : i32
      %mul3A_320 = arith.muli %scan3A_259, %mul3A_319 : i32
      %add3A_321 = arith.constant 64 : i32
      %add3A_322 = arith.addi %mul3A_320, %add3A_321 : i32
      %swap3A_323 = arith.index_cast %add3A_322 : i32 to index
      %swap3A_324 = tpu.vector_load %arg12[%swap3A_323] {strides = array<i32>} : memref<4000xi32, #tpu.memory_space<vmem>>, vector<16xi32>,
      tpu.vector_store %arg12[%swap3A_323], %add3A_318 {strides = array<i32>} : memref<4000xi32, #tpu.memory_space<vmem>>, vector<16xi32>,
    }
    %scan3A_82 = arith.constant 50 : i32
    %scan3A_83 = arith.constant 0 : i32
    %scan3A_84 = arith.constant 0 : i32
    %scan3A_85 = arith.constant 50 : i32
    %scan3A_86 = arith.addi %scan3A_84, %scan3A_85 : i32
    %scan3A_87 = arith.constant 1 : i32
    scf.for %scan3A_259 = %scan3A_84 to %scan3A_86 step %scan3A_87  : i32 {
      %mul3A_260 = arith.constant 80 : i32
      %mul3A_261 = arith.muli %scan3A_259, %mul3A_260 : i32
      %mul3A_262 = arith.constant 80 : i32
      %mul3A_263 = arith.muli %scan3A_259, %mul3A_262 : i32
      %dma_start3A = tpu.memref_slice %arg14[%mul3A_263] : memref<4000xf32, #tpu.memory_space<vmem>> -> memref<80xf32, #tpu.memory_space<vmem>>
      %dma_start3A_264 = tpu.memref_slice %arg12[%mul3A_261] : memref<4000xi32, #tpu.memory_space<vmem>> -> memref<80xi32, #tpu.memory_space<vmem>>
      %dma_start3A_265 = arith.constant 0 : i32
      %dma_start3A_266 = tpu.memref_slice %arg3[%dma_start3A_265] : memref<8000000xf32, #tpu.memory_space<hbm>> -> memref<8000000xf32, #tpu.memory_space<hbm>>
      tpu.enqueue_indirect_dma source(%dma_start3A_266 : memref<8000000xf32, #tpu.memory_space<hbm>>) target(%dma_start3A : memref<80xf32, #tpu.memory_space<vmem>>) offsets(%dma_start3A_264 : memref<80xi32, #tpu.memory_space<vmem>>) semaphore(%arg18 : memref<!tpu.dma_semaphore, #tpu.memory_space<semaphore_mem>>)
    }
    %scan3A_88 = arith.constant 50 : i32
    %dma_wait3A = arith.constant 0 : i32
    %dma_wait3A_89 = tpu.memref_slice %arg3[%dma_wait3A] : memref<8000000xf32, #tpu.memory_space<hbm>> -> memref<4000xf32, #tpu.memory_space<hbm>>
    %dma_wait3A_90 = arith.constant 0 : i32
    %dma_wait3A_91 = tpu.memref_slice %arg3[%dma_wait3A_90] : memref<8000000xf32, #tpu.memory_space<hbm>> -> memref<4000xf32, #tpu.memory_space<hbm>>
    tpu.wait_dma2 semaphore(%arg18 : memref<!tpu.dma_semaphore, #tpu.memory_space<semaphore_mem>>) src(%dma_wait3A_91 : memref<4000xf32, #tpu.memory_space<hbm>>) dst(%arg14 : memref<4000xf32, #tpu.memory_space<vmem>>)
    %get3A_92 = arith.constant 0 : index
    %get3A_93 = tpu.vector_load %arg10[%get3A_92] {strides = array<i32>} : memref<80xf32, #tpu.memory_space<vmem>>, vector<16xf32>,
    %gt3A = arith.constant 0.000000e+00 : f32
    %gt3A_94 = vector.broadcast %gt3A : f32 to vector<16xf32>
    %gt3A_95 = arith.cmpf ogt, %get3A_93, %gt3A_94 : vector<16xf32>
    %get3A_96 = arith.constant 0 : index
    %get3A_97 = tpu.vector_load %arg9[%get3A_96] {strides = array<i32>} : memref<80xf32, #tpu.memory_space<vmem>>, vector<16xf32>,
    %convert_element_type3A_98 = arith.fptosi %get3A_97 : vector<16xf32> to vector<16xi32>
    %gather3A = tpu.vector_load_idx %arg13[%convert_element_type3A_98] : memref<20000xf32, #tpu.memory_space<vmem>>[vector<16xi32>], vector<16xf32>,
    %broadcast_in_dim3A = arith.constant 0xFF800000 : f32
    %broadcast_in_dim3A_99 = vector.broadcast %broadcast_in_dim3A : f32 to vector<16xf32>
    %broadcast_in_dim3A_100 = arith.constant 0.000000e+00 : f32
    %broadcast_in_dim3A_101 = vector.broadcast %broadcast_in_dim3A_100 : f32 to vector<16xf32>
    %scan3A_102 = arith.constant 0 : i32
    %scan3A_103 = arith.constant 50 : i32
    %scan3A_104 = arith.addi %scan3A_102, %scan3A_103 : i32
    %scan3A_105 = arith.constant 1 : i32
    %scan3A_106:2 = scf.for %scan3A_259 = %scan3A_102 to %scan3A_104 step %scan3A_105 iter_args(%scan3A_260 = %broadcast_in_dim3A_99, %scan3A_261 = %broadcast_in_dim3A_101) -> (vector<16xf32>, vector<16xf32>)  : i32 {
      %mul3A_262 = arith.constant 80 : i32
      %mul3A_263 = arith.muli %scan3A_259, %mul3A_262 : i32
      %add3A_264 = arith.constant 0 : i32
      %add3A_265 = arith.addi %mul3A_263, %add3A_264 : i32
      %get3A_266 = arith.index_cast %add3A_265 : i32 to index
      %get3A_267 = tpu.vector_load %arg14[%get3A_266] {strides = array<i32>} : memref<4000xf32, #tpu.memory_space<vmem>>, vector<16xf32>,
      %gt3A_268 = arith.cmpf ogt, %get3A_267, %scan3A_260 : vector<16xf32>
      %select_n3A_269 = arith.select %gt3A_268, %get3A_267, %scan3A_260 : vector<16xi1>, vector<16xf32>
      %broadcast_in_dim3A_270 = arith.constant 0.000000e+00 : f32
      %broadcast_in_dim3A_271 = vector.broadcast %broadcast_in_dim3A_270 : f32 to vector<16xf32>
      %convert_element_type3A_272 = arith.sitofp %scan3A_259 : i32 to f32
      %add3A_273 = vector.broadcast %convert_element_type3A_272 : f32 to vector<16xf32>
      %add3A_274 = arith.addf %broadcast_in_dim3A_271, %add3A_273 : vector<16xf32>
      %select_n3A_275 = arith.select %gt3A_268, %add3A_274, %scan3A_261 : vector<16xi1>, vector<16xf32>
      scf.yield %select_n3A_269, %select_n3A_275 : vector<16xf32>, vector<16xf32>
    }
    %scan3A_107 = arith.constant 50 : i32
    %jit3A_108 = arith.constant -1.000000e+00 : f32
    %broadcast_in_dim3A_109 = vector.broadcast %jit3A_108 : f32 to vector<16xf32>
    %select_n3A_110 = arith.select %gt3A_95, %gather3A, %broadcast_in_dim3A_109 : vector<16xi1>, vector<16xf32>
    %swap3A_111 = arith.constant 0 : index
    %swap3A_112 = tpu.vector_load %arg15[%swap3A_111] {strides = array<i32>} : memref<80xf32, #tpu.memory_space<vmem>>, vector<16xf32>,
    tpu.vector_store %arg15[%swap3A_111], %select_n3A_110 {strides = array<i32>} : memref<80xf32, #tpu.memory_space<vmem>>, vector<16xf32>,
    %jit3A_113 = arith.constant -1.000000e+00 : f32
    %broadcast_in_dim3A_114 = vector.broadcast %jit3A_113 : f32 to vector<16xf32>
    %select_n3A_115 = arith.select %gt3A_95, %scan3A_106#0, %broadcast_in_dim3A_114 : vector<16xi1>, vector<16xf32>
    %swap3A_116 = arith.constant 0 : index
    %swap3A_117 = tpu.vector_load %arg16[%swap3A_116] {strides = array<i32>} : memref<80xf32, #tpu.memory_space<vmem>>, vector<16xf32>,
    tpu.vector_store %arg16[%swap3A_116], %select_n3A_115 {strides = array<i32>} : memref<80xf32, #tpu.memory_space<vmem>>, vector<16xf32>,
    %jit3A_118 = arith.constant -1.000000e+00 : f32
    %broadcast_in_dim3A_119 = vector.broadcast %jit3A_118 : f32 to vector<16xf32>
    %select_n3A_120 = arith.select %gt3A_95, %scan3A_106#1, %broadcast_in_dim3A_119 : vector<16xi1>, vector<16xf32>
    %swap3A_121 = arith.constant 0 : index
    %swap3A_122 = tpu.vector_load %arg17[%swap3A_121] {strides = array<i32>} : memref<80xf32, #tpu.memory_space<vmem>>, vector<16xf32>,
    tpu.vector_store %arg17[%swap3A_121], %select_n3A_120 {strides = array<i32>} : memref<80xf32, #tpu.memory_space<vmem>>, vector<16xf32>,
    %get3A_123 = arith.constant 16 : index
    %get3A_124 = tpu.vector_load %arg10[%get3A_123] {strides = array<i32>} : memref<80xf32, #tpu.memory_space<vmem>>, vector<16xf32>,
    %gt3A_125 = arith.constant 0.000000e+00 : f32
    %gt3A_126 = vector.broadcast %gt3A_125 : f32 to vector<16xf32>
    %gt3A_127 = arith.cmpf ogt, %get3A_124, %gt3A_126 : vector<16xf32>
    %get3A_128 = arith.constant 16 : index
    %get3A_129 = tpu.vector_load %arg9[%get3A_128] {strides = array<i32>} : memref<80xf32, #tpu.memory_space<vmem>>, vector<16xf32>,
    %convert_element_type3A_130 = arith.fptosi %get3A_129 : vector<16xf32> to vector<16xi32>
    %gather3A_131 = tpu.vector_load_idx %arg13[%convert_element_type3A_130] : memref<20000xf32, #tpu.memory_space<vmem>>[vector<16xi32>], vector<16xf32>,
    %broadcast_in_dim3A_132 = arith.constant 0xFF800000 : f32
    %broadcast_in_dim3A_133 = vector.broadcast %broadcast_in_dim3A_132 : f32 to vector<16xf32>
    %broadcast_in_dim3A_134 = arith.constant 0.000000e+00 : f32
    %broadcast_in_dim3A_135 = vector.broadcast %broadcast_in_dim3A_134 : f32 to vector<16xf32>
    %scan3A_136 = arith.constant 0 : i32
    %scan3A_137 = arith.constant 50 : i32
    %scan3A_138 = arith.addi %scan3A_136, %scan3A_137 : i32
    %scan3A_139 = arith.constant 1 : i32
    %scan3A_140:2 = scf.for %scan3A_259 = %scan3A_136 to %scan3A_138 step %scan3A_139 iter_args(%scan3A_260 = %broadcast_in_dim3A_133, %scan3A_261 = %broadcast_in_dim3A_135) -> (vector<16xf32>, vector<16xf32>)  : i32 {
      %mul3A_262 = arith.constant 80 : i32
      %mul3A_263 = arith.muli %scan3A_259, %mul3A_262 : i32
      %add3A_264 = arith.constant 16 : i32
      %add3A_265 = arith.addi %mul3A_263, %add3A_264 : i32
      %get3A_266 = arith.index_cast %add3A_265 : i32 to index
      %get3A_267 = tpu.vector_load %arg14[%get3A_266] {strides = array<i32>} : memref<4000xf32, #tpu.memory_space<vmem>>, vector<16xf32>,
      %gt3A_268 = arith.cmpf ogt, %get3A_267, %scan3A_260 : vector<16xf32>
      %select_n3A_269 = arith.select %gt3A_268, %get3A_267, %scan3A_260 : vector<16xi1>, vector<16xf32>
      %broadcast_in_dim3A_270 = arith.constant 0.000000e+00 : f32
      %broadcast_in_dim3A_271 = vector.broadcast %broadcast_in_dim3A_270 : f32 to vector<16xf32>
      %convert_element_type3A_272 = arith.sitofp %scan3A_259 : i32 to f32
      %add3A_273 = vector.broadcast %convert_element_type3A_272 : f32 to vector<16xf32>
      %add3A_274 = arith.addf %broadcast_in_dim3A_271, %add3A_273 : vector<16xf32>
      %select_n3A_275 = arith.select %gt3A_268, %add3A_274, %scan3A_261 : vector<16xi1>, vector<16xf32>
      scf.yield %select_n3A_269, %select_n3A_275 : vector<16xf32>, vector<16xf32>
    }
    %scan3A_141 = arith.constant 50 : i32
    %jit3A_142 = arith.constant -1.000000e+00 : f32
    %broadcast_in_dim3A_143 = vector.broadcast %jit3A_142 : f32 to vector<16xf32>
    %select_n3A_144 = arith.select %gt3A_127, %gather3A_131, %broadcast_in_dim3A_143 : vector<16xi1>, vector<16xf32>
    %swap3A_145 = arith.constant 16 : index
    %swap3A_146 = tpu.vector_load %arg15[%swap3A_145] {strides = array<i32>} : memref<80xf32, #tpu.memory_space<vmem>>, vector<16xf32>,
    tpu.vector_store %arg15[%swap3A_145], %select_n3A_144 {strides = array<i32>} : memref<80xf32, #tpu.memory_space<vmem>>, vector<16xf32>,
    %jit3A_147 = arith.constant -1.000000e+00 : f32
    %broadcast_in_dim3A_148 = vector.broadcast %jit3A_147 : f32 to vector<16xf32>
    %select_n3A_149 = arith.select %gt3A_127, %scan3A_140#0, %broadcast_in_dim3A_148 : vector<16xi1>, vector<16xf32>
    %swap3A_150 = arith.constant 16 : index
    %swap3A_151 = tpu.vector_load %arg16[%swap3A_150] {strides = array<i32>} : memref<80xf32, #tpu.memory_space<vmem>>, vector<16xf32>,
    tpu.vector_store %arg16[%swap3A_150], %select_n3A_149 {strides = array<i32>} : memref<80xf32, #tpu.memory_space<vmem>>, vector<16xf32>,
    %jit3A_152 = arith.constant -1.000000e+00 : f32
    %broadcast_in_dim3A_153 = vector.broadcast %jit3A_152 : f32 to vector<16xf32>
    %select_n3A_154 = arith.select %gt3A_127, %scan3A_140#1, %broadcast_in_dim3A_153 : vector<16xi1>, vector<16xf32>
    %swap3A_155 = arith.constant 16 : index
    %swap3A_156 = tpu.vector_load %arg17[%swap3A_155] {strides = array<i32>} : memref<80xf32, #tpu.memory_space<vmem>>, vector<16xf32>,
    tpu.vector_store %arg17[%swap3A_155], %select_n3A_154 {strides = array<i32>} : memref<80xf32, #tpu.memory_space<vmem>>, vector<16xf32>,
    %get3A_157 = arith.constant 32 : index
    %get3A_158 = tpu.vector_load %arg10[%get3A_157] {strides = array<i32>} : memref<80xf32, #tpu.memory_space<vmem>>, vector<16xf32>,
    %gt3A_159 = arith.constant 0.000000e+00 : f32
    %gt3A_160 = vector.broadcast %gt3A_159 : f32 to vector<16xf32>
    %gt3A_161 = arith.cmpf ogt, %get3A_158, %gt3A_160 : vector<16xf32>
    %get3A_162 = arith.constant 32 : index
    %get3A_163 = tpu.vector_load %arg9[%get3A_162] {strides = array<i32>} : memref<80xf32, #tpu.memory_space<vmem>>, vector<16xf32>,
    %convert_element_type3A_164 = arith.fptosi %get3A_163 : vector<16xf32> to vector<16xi32>
    %gather3A_165 = tpu.vector_load_idx %arg13[%convert_element_type3A_164] : memref<20000xf32, #tpu.memory_space<vmem>>[vector<16xi32>], vector<16xf32>,
    %broadcast_in_dim3A_166 = arith.constant 0xFF800000 : f32
    %broadcast_in_dim3A_167 = vector.broadcast %broadcast_in_dim3A_166 : f32 to vector<16xf32>
    %broadcast_in_dim3A_168 = arith.constant 0.000000e+00 : f32
    %broadcast_in_dim3A_169 = vector.broadcast %broadcast_in_dim3A_168 : f32 to vector<16xf32>
    %scan3A_170 = arith.constant 0 : i32
    %scan3A_171 = arith.constant 50 : i32
    %scan3A_172 = arith.addi %scan3A_170, %scan3A_171 : i32
    %scan3A_173 = arith.constant 1 : i32
    %scan3A_174:2 = scf.for %scan3A_259 = %scan3A_170 to %scan3A_172 step %scan3A_173 iter_args(%scan3A_260 = %broadcast_in_dim3A_167, %scan3A_261 = %broadcast_in_dim3A_169) -> (vector<16xf32>, vector<16xf32>)  : i32 {
      %mul3A_262 = arith.constant 80 : i32
      %mul3A_263 = arith.muli %scan3A_259, %mul3A_262 : i32
      %add3A_264 = arith.constant 32 : i32
      %add3A_265 = arith.addi %mul3A_263, %add3A_264 : i32
      %get3A_266 = arith.index_cast %add3A_265 : i32 to index
      %get3A_267 = tpu.vector_load %arg14[%get3A_266] {strides = array<i32>} : memref<4000xf32, #tpu.memory_space<vmem>>, vector<16xf32>,
      %gt3A_268 = arith.cmpf ogt, %get3A_267, %scan3A_260 : vector<16xf32>
      %select_n3A_269 = arith.select %gt3A_268, %get3A_267, %scan3A_260 : vector<16xi1>, vector<16xf32>
      %broadcast_in_dim3A_270 = arith.constant 0.000000e+00 : f32
      %broadcast_in_dim3A_271 = vector.broadcast %broadcast_in_dim3A_270 : f32 to vector<16xf32>
      %convert_element_type3A_272 = arith.sitofp %scan3A_259 : i32 to f32
      %add3A_273 = vector.broadcast %convert_element_type3A_272 : f32 to vector<16xf32>
      %add3A_274 = arith.addf %broadcast_in_dim3A_271, %add3A_273 : vector<16xf32>
      %select_n3A_275 = arith.select %gt3A_268, %add3A_274, %scan3A_261 : vector<16xi1>, vector<16xf32>
      scf.yield %select_n3A_269, %select_n3A_275 : vector<16xf32>, vector<16xf32>
    }
    %scan3A_175 = arith.constant 50 : i32
    %jit3A_176 = arith.constant -1.000000e+00 : f32
    %broadcast_in_dim3A_177 = vector.broadcast %jit3A_176 : f32 to vector<16xf32>
    %select_n3A_178 = arith.select %gt3A_161, %gather3A_165, %broadcast_in_dim3A_177 : vector<16xi1>, vector<16xf32>
    %swap3A_179 = arith.constant 32 : index
    %swap3A_180 = tpu.vector_load %arg15[%swap3A_179] {strides = array<i32>} : memref<80xf32, #tpu.memory_space<vmem>>, vector<16xf32>,
    tpu.vector_store %arg15[%swap3A_179], %select_n3A_178 {strides = array<i32>} : memref<80xf32, #tpu.memory_space<vmem>>, vector<16xf32>,
    %jit3A_181 = arith.constant -1.000000e+00 : f32
    %broadcast_in_dim3A_182 = vector.broadcast %jit3A_181 : f32 to vector<16xf32>
    %select_n3A_183 = arith.select %gt3A_161, %scan3A_174#0, %broadcast_in_dim3A_182 : vector<16xi1>, vector<16xf32>
    %swap3A_184 = arith.constant 32 : index
    %swap3A_185 = tpu.vector_load %arg16[%swap3A_184] {strides = array<i32>} : memref<80xf32, #tpu.memory_space<vmem>>, vector<16xf32>,
    tpu.vector_store %arg16[%swap3A_184], %select_n3A_183 {strides = array<i32>} : memref<80xf32, #tpu.memory_space<vmem>>, vector<16xf32>,
    %jit3A_186 = arith.constant -1.000000e+00 : f32
    %broadcast_in_dim3A_187 = vector.broadcast %jit3A_186 : f32 to vector<16xf32>
    %select_n3A_188 = arith.select %gt3A_161, %scan3A_174#1, %broadcast_in_dim3A_187 : vector<16xi1>, vector<16xf32>
    %swap3A_189 = arith.constant 32 : index
    %swap3A_190 = tpu.vector_load %arg17[%swap3A_189] {strides = array<i32>} : memref<80xf32, #tpu.memory_space<vmem>>, vector<16xf32>,
    tpu.vector_store %arg17[%swap3A_189], %select_n3A_188 {strides = array<i32>} : memref<80xf32, #tpu.memory_space<vmem>>, vector<16xf32>,
    %get3A_191 = arith.constant 48 : index
    %get3A_192 = tpu.vector_load %arg10[%get3A_191] {strides = array<i32>} : memref<80xf32, #tpu.memory_space<vmem>>, vector<16xf32>,
    %gt3A_193 = arith.constant 0.000000e+00 : f32
    %gt3A_194 = vector.broadcast %gt3A_193 : f32 to vector<16xf32>
    %gt3A_195 = arith.cmpf ogt, %get3A_192, %gt3A_194 : vector<16xf32>
    %get3A_196 = arith.constant 48 : index
    %get3A_197 = tpu.vector_load %arg9[%get3A_196] {strides = array<i32>} : memref<80xf32, #tpu.memory_space<vmem>>, vector<16xf32>,
    %convert_element_type3A_198 = arith.fptosi %get3A_197 : vector<16xf32> to vector<16xi32>
    %gather3A_199 = tpu.vector_load_idx %arg13[%convert_element_type3A_198] : memref<20000xf32, #tpu.memory_space<vmem>>[vector<16xi32>], vector<16xf32>,
    %broadcast_in_dim3A_200 = arith.constant 0xFF800000 : f32
    %broadcast_in_dim3A_201 = vector.broadcast %broadcast_in_dim3A_200 : f32 to vector<16xf32>
    %broadcast_in_dim3A_202 = arith.constant 0.000000e+00 : f32
    %broadcast_in_dim3A_203 = vector.broadcast %broadcast_in_dim3A_202 : f32 to vector<16xf32>
    %scan3A_204 = arith.constant 0 : i32
    %scan3A_205 = arith.constant 50 : i32
    %scan3A_206 = arith.addi %scan3A_204, %scan3A_205 : i32
    %scan3A_207 = arith.constant 1 : i32
    %scan3A_208:2 = scf.for %scan3A_259 = %scan3A_204 to %scan3A_206 step %scan3A_207 iter_args(%scan3A_260 = %broadcast_in_dim3A_201, %scan3A_261 = %broadcast_in_dim3A_203) -> (vector<16xf32>, vector<16xf32>)  : i32 {
      %mul3A_262 = arith.constant 80 : i32
      %mul3A_263 = arith.muli %scan3A_259, %mul3A_262 : i32
      %add3A_264 = arith.constant 48 : i32
      %add3A_265 = arith.addi %mul3A_263, %add3A_264 : i32
      %get3A_266 = arith.index_cast %add3A_265 : i32 to index
      %get3A_267 = tpu.vector_load %arg14[%get3A_266] {strides = array<i32>} : memref<4000xf32, #tpu.memory_space<vmem>>, vector<16xf32>,
      %gt3A_268 = arith.cmpf ogt, %get3A_267, %scan3A_260 : vector<16xf32>
      %select_n3A_269 = arith.select %gt3A_268, %get3A_267, %scan3A_260 : vector<16xi1>, vector<16xf32>
      %broadcast_in_dim3A_270 = arith.constant 0.000000e+00 : f32
      %broadcast_in_dim3A_271 = vector.broadcast %broadcast_in_dim3A_270 : f32 to vector<16xf32>
      %convert_element_type3A_272 = arith.sitofp %scan3A_259 : i32 to f32
      %add3A_273 = vector.broadcast %convert_element_type3A_272 : f32 to vector<16xf32>
      %add3A_274 = arith.addf %broadcast_in_dim3A_271, %add3A_273 : vector<16xf32>
      %select_n3A_275 = arith.select %gt3A_268, %add3A_274, %scan3A_261 : vector<16xi1>, vector<16xf32>
      scf.yield %select_n3A_269, %select_n3A_275 : vector<16xf32>, vector<16xf32>
    }
    %scan3A_209 = arith.constant 50 : i32
    %jit3A_210 = arith.constant -1.000000e+00 : f32
    %broadcast_in_dim3A_211 = vector.broadcast %jit3A_210 : f32 to vector<16xf32>
    %select_n3A_212 = arith.select %gt3A_195, %gather3A_199, %broadcast_in_dim3A_211 : vector<16xi1>, vector<16xf32>
    %swap3A_213 = arith.constant 48 : index
    %swap3A_214 = tpu.vector_load %arg15[%swap3A_213] {strides = array<i32>} : memref<80xf32, #tpu.memory_space<vmem>>, vector<16xf32>,
    tpu.vector_store %arg15[%swap3A_213], %select_n3A_212 {strides = array<i32>} : memref<80xf32, #tpu.memory_space<vmem>>, vector<16xf32>,
    %jit3A_215 = arith.constant -1.000000e+00 : f32
    %broadcast_in_dim3A_216 = vector.broadcast %jit3A_215 : f32 to vector<16xf32>
    %select_n3A_217 = arith.select %gt3A_195, %scan3A_208#0, %broadcast_in_dim3A_216 : vector<16xi1>, vector<16xf32>
    %swap3A_218 = arith.constant 48 : index
    %swap3A_219 = tpu.vector_load %arg16[%swap3A_218] {strides = array<i32>} : memref<80xf32, #tpu.memory_space<vmem>>, vector<16xf32>,
    tpu.vector_store %arg16[%swap3A_218], %select_n3A_217 {strides = array<i32>} : memref<80xf32, #tpu.memory_space<vmem>>, vector<16xf32>,
    %jit3A_220 = arith.constant -1.000000e+00 : f32
    %broadcast_in_dim3A_221 = vector.broadcast %jit3A_220 : f32 to vector<16xf32>
    %select_n3A_222 = arith.select %gt3A_195, %scan3A_208#1, %broadcast_in_dim3A_221 : vector<16xi1>, vector<16xf32>
    %swap3A_223 = arith.constant 48 : index
    %swap3A_224 = tpu.vector_load %arg17[%swap3A_223] {strides = array<i32>} : memref<80xf32, #tpu.memory_space<vmem>>, vector<16xf32>,
    tpu.vector_store %arg17[%swap3A_223], %select_n3A_222 {strides = array<i32>} : memref<80xf32, #tpu.memory_space<vmem>>, vector<16xf32>,
    %get3A_225 = arith.constant 64 : index
    %get3A_226 = tpu.vector_load %arg10[%get3A_225] {strides = array<i32>} : memref<80xf32, #tpu.memory_space<vmem>>, vector<16xf32>,
    %gt3A_227 = arith.constant 0.000000e+00 : f32
    %gt3A_228 = vector.broadcast %gt3A_227 : f32 to vector<16xf32>
    %gt3A_229 = arith.cmpf ogt, %get3A_226, %gt3A_228 : vector<16xf32>
    %get3A_230 = arith.constant 64 : index
    %get3A_231 = tpu.vector_load %arg9[%get3A_230] {strides = array<i32>} : memref<80xf32, #tpu.memory_space<vmem>>, vector<16xf32>,
    %convert_element_type3A_232 = arith.fptosi %get3A_231 : vector<16xf32> to vector<16xi32>
    %gather3A_233 = tpu.vector_load_idx %arg13[%convert_element_type3A_232] : memref<20000xf32, #tpu.memory_space<vmem>>[vector<16xi32>], vector<16xf32>,
    %broadcast_in_dim3A_234 = arith.constant 0xFF800000 : f32
    %broadcast_in_dim3A_235 = vector.broadcast %broadcast_in_dim3A_234 : f32 to vector<16xf32>
    %broadcast_in_dim3A_236 = arith.constant 0.000000e+00 : f32
    %broadcast_in_dim3A_237 = vector.broadcast %broadcast_in_dim3A_236 : f32 to vector<16xf32>
    %scan3A_238 = arith.constant 0 : i32
    %scan3A_239 = arith.constant 50 : i32
    %scan3A_240 = arith.addi %scan3A_238, %scan3A_239 : i32
    %scan3A_241 = arith.constant 1 : i32
    %scan3A_242:2 = scf.for %scan3A_259 = %scan3A_238 to %scan3A_240 step %scan3A_241 iter_args(%scan3A_260 = %broadcast_in_dim3A_235, %scan3A_261 = %broadcast_in_dim3A_237) -> (vector<16xf32>, vector<16xf32>)  : i32 {
      %mul3A_262 = arith.constant 80 : i32
      %mul3A_263 = arith.muli %scan3A_259, %mul3A_262 : i32
      %add3A_264 = arith.constant 64 : i32
      %add3A_265 = arith.addi %mul3A_263, %add3A_264 : i32
      %get3A_266 = arith.index_cast %add3A_265 : i32 to index
      %get3A_267 = tpu.vector_load %arg14[%get3A_266] {strides = array<i32>} : memref<4000xf32, #tpu.memory_space<vmem>>, vector<16xf32>,
      %gt3A_268 = arith.cmpf ogt, %get3A_267, %scan3A_260 : vector<16xf32>
      %select_n3A_269 = arith.select %gt3A_268, %get3A_267, %scan3A_260 : vector<16xi1>, vector<16xf32>
      %broadcast_in_dim3A_270 = arith.constant 0.000000e+00 : f32
      %broadcast_in_dim3A_271 = vector.broadcast %broadcast_in_dim3A_270 : f32 to vector<16xf32>
      %convert_element_type3A_272 = arith.sitofp %scan3A_259 : i32 to f32
      %add3A_273 = vector.broadcast %convert_element_type3A_272 : f32 to vector<16xf32>
      %add3A_274 = arith.addf %broadcast_in_dim3A_271, %add3A_273 : vector<16xf32>
      %select_n3A_275 = arith.select %gt3A_268, %add3A_274, %scan3A_261 : vector<16xi1>, vector<16xf32>
      scf.yield %select_n3A_269, %select_n3A_275 : vector<16xf32>, vector<16xf32>
    }
    %scan3A_243 = arith.constant 50 : i32
    %jit3A_244 = arith.constant -1.000000e+00 : f32
    %broadcast_in_dim3A_245 = vector.broadcast %jit3A_244 : f32 to vector<16xf32>
    %select_n3A_246 = arith.select %gt3A_229, %gather3A_233, %broadcast_in_dim3A_245 : vector<16xi1>, vector<16xf32>
    %swap3A_247 = arith.constant 64 : index
    %swap3A_248 = tpu.vector_load %arg15[%swap3A_247] {strides = array<i32>} : memref<80xf32, #tpu.memory_space<vmem>>, vector<16xf32>,
    tpu.vector_store %arg15[%swap3A_247], %select_n3A_246 {strides = array<i32>} : memref<80xf32, #tpu.memory_space<vmem>>, vector<16xf32>,
    %jit3A_249 = arith.constant -1.000000e+00 : f32
    %broadcast_in_dim3A_250 = vector.broadcast %jit3A_249 : f32 to vector<16xf32>
    %select_n3A_251 = arith.select %gt3A_229, %scan3A_242#0, %broadcast_in_dim3A_250 : vector<16xi1>, vector<16xf32>
    %swap3A_252 = arith.constant 64 : index
    %swap3A_253 = tpu.vector_load %arg16[%swap3A_252] {strides = array<i32>} : memref<80xf32, #tpu.memory_space<vmem>>, vector<16xf32>,
    tpu.vector_store %arg16[%swap3A_252], %select_n3A_251 {strides = array<i32>} : memref<80xf32, #tpu.memory_space<vmem>>, vector<16xf32>,
    %jit3A_254 = arith.constant -1.000000e+00 : f32
    %broadcast_in_dim3A_255 = vector.broadcast %jit3A_254 : f32 to vector<16xf32>
    %select_n3A_256 = arith.select %gt3A_229, %scan3A_242#1, %broadcast_in_dim3A_255 : vector<16xi1>, vector<16xf32>
    %swap3A_257 = arith.constant 64 : index
    %swap3A_258 = tpu.vector_load %arg17[%swap3A_257] {strides = array<i32>} : memref<80xf32, #tpu.memory_space<vmem>>, vector<16xf32>,
    tpu.vector_store %arg17[%swap3A_257], %select_n3A_256 {strides = array<i32>} : memref<80xf32, #tpu.memory_space<vmem>>, vector<16xf32>,
    "tpu.region"() ({
      %run_scoped3A = tpu.sem_alloc : memref<!tpu.dma_semaphore, #tpu.memory_space<semaphore_mem>>
      %dma_start3A = tpu.memref_slice %arg6[%add3A_35] : memref<2560xf32, #tpu.memory_space<hbm>> -> memref<80xf32, #tpu.memory_space<hbm>>
      %dma_start3A_259 = tpu.memref_slice %arg6[%add3A_35] : memref<2560xf32, #tpu.memory_space<hbm>> -> memref<80xf32, #tpu.memory_space<hbm>>
      tpu.enqueue_dma source(%arg15 : memref<80xf32, #tpu.memory_space<vmem>>) target(%dma_start3A_259 : memref<80xf32, #tpu.memory_space<hbm>>) target_semaphore(%run_scoped3A : memref<!tpu.dma_semaphore, #tpu.memory_space<semaphore_mem>>)
      %dma_wait3A_260 = tpu.memref_slice %arg6[%add3A_35] : memref<2560xf32, #tpu.memory_space<hbm>> -> memref<80xf32, #tpu.memory_space<hbm>>
      %dma_wait3A_261 = tpu.memref_slice %arg6[%add3A_35] : memref<2560xf32, #tpu.memory_space<hbm>> -> memref<80xf32, #tpu.memory_space<hbm>>
      tpu.wait_dma2 semaphore(%run_scoped3A : memref<!tpu.dma_semaphore, #tpu.memory_space<semaphore_mem>>) src(%arg15 : memref<80xf32, #tpu.memory_space<vmem>>) dst(%dma_wait3A_261 : memref<80xf32, #tpu.memory_space<hbm>>)
      tpu.yield
    }) : () -> ()
    "tpu.region"() ({
      %run_scoped3A = tpu.sem_alloc : memref<!tpu.dma_semaphore, #tpu.memory_space<semaphore_mem>>
      %dma_start3A = tpu.memref_slice %arg7[%add3A_35] : memref<2560xf32, #tpu.memory_space<hbm>> -> memref<80xf32, #tpu.memory_space<hbm>>
      %dma_start3A_259 = tpu.memref_slice %arg7[%add3A_35] : memref<2560xf32, #tpu.memory_space<hbm>> -> memref<80xf32, #tpu.memory_space<hbm>>
      tpu.enqueue_dma source(%arg16 : memref<80xf32, #tpu.memory_space<vmem>>) target(%dma_start3A_259 : memref<80xf32, #tpu.memory_space<hbm>>) target_semaphore(%run_scoped3A : memref<!tpu.dma_semaphore, #tpu.memory_space<semaphore_mem>>)
      %dma_wait3A_260 = tpu.memref_slice %arg7[%add3A_35] : memref<2560xf32, #tpu.memory_space<hbm>> -> memref<80xf32, #tpu.memory_space<hbm>>
      %dma_wait3A_261 = tpu.memref_slice %arg7[%add3A_35] : memref<2560xf32, #tpu.memory_space<hbm>> -> memref<80xf32, #tpu.memory_space<hbm>>
      tpu.wait_dma2 semaphore(%run_scoped3A : memref<!tpu.dma_semaphore, #tpu.memory_space<semaphore_mem>>) src(%arg16 : memref<80xf32, #tpu.memory_space<vmem>>) dst(%dma_wait3A_261 : memref<80xf32, #tpu.memory_space<hbm>>)
      tpu.yield
    }) : () -> ()
    "tpu.region"() ({
      %run_scoped3A = tpu.sem_alloc : memref<!tpu.dma_semaphore, #tpu.memory_space<semaphore_mem>>
      %dma_start3A = tpu.memref_slice %arg8[%add3A_35] : memref<2560xf32, #tpu.memory_space<hbm>> -> memref<80xf32, #tpu.memory_space<hbm>>
      %dma_start3A_259 = tpu.memref_slice %arg8[%add3A_35] : memref<2560xf32, #tpu.memory_space<hbm>> -> memref<80xf32, #tpu.memory_space<hbm>>
      tpu.enqueue_dma source(%arg17 : memref<80xf32, #tpu.memory_space<vmem>>) target(%dma_start3A_259 : memref<80xf32, #tpu.memory_space<hbm>>) target_semaphore(%run_scoped3A : memref<!tpu.dma_semaphore, #tpu.memory_space<semaphore_mem>>)
      %dma_wait3A_260 = tpu.memref_slice %arg8[%add3A_35] : memref<2560xf32, #tpu.memory_space<hbm>> -> memref<80xf32, #tpu.memory_space<hbm>>
      %dma_wait3A_261 = tpu.memref_slice %arg8[%add3A_35] : memref<2560xf32, #tpu.memory_space<hbm>> -> memref<80xf32, #tpu.memory_space<hbm>>
      tpu.wait_dma2 semaphore(%run_scoped3A : memref<!tpu.dma_semaphore, #tpu.memory_space<semaphore_mem>>) src(%arg17 : memref<80xf32, #tpu.memory_space<vmem>>) dst(%dma_wait3A_261 : memref<80xf32, #tpu.memory_space<hbm>>)
      tpu.yield
    }) : () -> ()
    return
  }
}

module attributes {stable_mosaic.version = 14 : i64} {
  func.func @_prep_body(%arg0: i32, %arg1: i32, %arg2: memref<1x2000x80xf32, #tpu.memory_space<vmem>>, %arg3: memref<1x2000x4xf32, #tpu.memory_space<vmem>>, %arg4: memref<1x1x1x2000xf32, #tpu.memory_space<vmem>>, %arg5: memref<1x1x1x2000xf32, #tpu.memory_space<vmem>>, %arg6: memref<1x1x1x2000xf32, #tpu.memory_space<vmem>>, %arg7: memref<1x1x1x2000xf32, #tpu.memory_space<vmem>>, %arg8: memref<1x1x1x2000xf32, #tpu.memory_space<vmem>>, %arg9: memref<1x1x1x2000xf32, #tpu.memory_space<vmem>>) attributes {dimension_semantics = [#tpu.dimension_semantics<arbitrary>, #tpu.dimension_semantics<arbitrary>], iteration_bounds = array<i64: 8, 10>, scalar_prefetch = 0 : i64, scratch_operands = 0 : i64, tpu.core_type = #tpu.core_type<tc>, window_params = [{transform_indices = @transform_0, window_bounds = array<i64: 1, 2000, 80>}, {transform_indices = @transform_1, window_bounds = array<i64: 1, 2000, 4>}, {transform_indices = @transform_2, window_bounds = array<i64: 1, 1, 1, 2000>}, {transform_indices = @transform_3, window_bounds = array<i64: 1, 1, 1, 2000>}, {transform_indices = @transform_4, window_bounds = array<i64: 1, 1, 1, 2000>}, {transform_indices = @transform_5, window_bounds = array<i64: 1, 1, 1, 2000>}, {transform_indices = @transform_6, window_bounds = array<i64: 1, 1, 1, 2000>}, {transform_indices = @transform_7, window_bounds = array<i64: 1, 1, 1, 2000>}]} {
    %get3A = arith.constant 0 : index
    %get3A_0 = arith.constant 0 : index
    %get3A_1 = arith.constant 0 : index
    %get3A_2 = vector.load %arg2[%get3A, %get3A_0, %get3A_1] : memref<1x2000x80xf32, #tpu.memory_space<vmem>>, vector<1x2000x80xf32>
    %reduce_max3A = arith.constant dense<0xFF800000> : vector<1x2000xf32>
    %reduce_max3A_3 = vector.multi_reduction <maximumf>, %get3A_2, %reduce_max3A [2] : vector<1x2000x80xf32> to vector<1x2000xf32>
    %iota3A = tpu.iota {dimensions = array<i32: 2>} : vector<1x2000x80xi32>
    %convert_element_type3A = arith.sitofp %iota3A : vector<1x2000x80xi32> to vector<1x2000x80xf32>
    %broadcast_in_dim3A = vector.shape_cast %reduce_max3A_3 : vector<1x2000xf32> to vector<1x2000x1xf32>
    %eq3A = vector.broadcast %broadcast_in_dim3A : vector<1x2000x1xf32> to vector<1x2000x80xf32>
    %eq3A_4 = arith.cmpf oeq, %get3A_2, %eq3A : vector<1x2000x80xf32>
    %jit3A = arith.constant 1.000000e+09 : f32
    %broadcast_in_dim3A_5 = vector.broadcast %jit3A : f32 to vector<1x2000x80xf32>
    %select_n3A = arith.select %eq3A_4, %convert_element_type3A, %broadcast_in_dim3A_5 : vector<1x2000x80xi1>, vector<1x2000x80xf32>
    %reduce_min3A = arith.constant dense<0x7F800000> : vector<1x2000xf32>
    %reduce_min3A_6 = vector.multi_reduction <minimumf>, %select_n3A, %reduce_min3A [2] : vector<1x2000x80xf32> to vector<1x2000xf32>
    %gt3A = arith.constant 5.000000e-02 : f32
    %gt3A_7 = vector.broadcast %gt3A : f32 to vector<1x2000xf32>
    %gt3A_8 = arith.cmpf ogt, %reduce_max3A_3, %gt3A_7 : vector<1x2000xf32>
    %jit3A_9 = arith.constant -1.000000e+30 : f32
    %broadcast_in_dim3A_10 = vector.broadcast %jit3A_9 : f32 to vector<1x2000xf32>
    %select_n3A_11 = arith.select %gt3A_8, %reduce_max3A_3, %broadcast_in_dim3A_10 : vector<1x2000xi1>, vector<1x2000xf32>
    %broadcast_in_dim3A_12 = vector.shape_cast %select_n3A_11 : vector<1x2000xf32> to vector<1x1x1x2000xf32>
    %swap3A = arith.constant 0 : index
    %swap3A_13 = arith.constant 0 : index
    %swap3A_14 = arith.constant 0 : index
    %swap3A_15 = arith.constant 0 : index
    %swap3A_16 = vector.load %arg4[%swap3A, %swap3A_13, %swap3A_14, %swap3A_15] : memref<1x1x1x2000xf32, #tpu.memory_space<vmem>>, vector<1x1x1x2000xf32>
    tpu.vector_store %arg4[%swap3A, %swap3A_13, %swap3A_14, %swap3A_15], %broadcast_in_dim3A_12 {strides = array<i32>} : memref<1x1x1x2000xf32, #tpu.memory_space<vmem>>, vector<1x1x1x2000xf32>,
    %broadcast_in_dim3A_17 = vector.shape_cast %reduce_min3A_6 : vector<1x2000xf32> to vector<1x1x1x2000xf32>
    %swap3A_18 = arith.constant 0 : index
    %swap3A_19 = arith.constant 0 : index
    %swap3A_20 = arith.constant 0 : index
    %swap3A_21 = arith.constant 0 : index
    %swap3A_22 = vector.load %arg5[%swap3A_18, %swap3A_19, %swap3A_20, %swap3A_21] : memref<1x1x1x2000xf32, #tpu.memory_space<vmem>>, vector<1x1x1x2000xf32>
    tpu.vector_store %arg5[%swap3A_18, %swap3A_19, %swap3A_20, %swap3A_21], %broadcast_in_dim3A_17 {strides = array<i32>} : memref<1x1x1x2000xf32, #tpu.memory_space<vmem>>, vector<1x1x1x2000xf32>,
    %get3A_23 = arith.constant 0 : index
    %get3A_24 = arith.constant 0 : index
    %get3A_25 = arith.constant 0 : index
    %get3A_26 = vector.load %arg3[%get3A_23, %get3A_24, %get3A_25] : memref<1x2000x4xf32, #tpu.memory_space<vmem>>, vector<1x2000x4xf32>
    %slice3A = vector.extract_strided_slice %get3A_26 {offsets = [0, 0, 0], sizes = [1, 2000, 1], strides = [1, 1, 1]} : vector<1x2000x4xf32> to vector<1x2000x1xf32>
    %squeeze3A = vector.shape_cast %slice3A : vector<1x2000x1xf32> to vector<1x2000xf32>
    %broadcast_in_dim3A_27 = vector.shape_cast %squeeze3A : vector<1x2000xf32> to vector<1x1x1x2000xf32>
    %swap3A_28 = arith.constant 0 : index
    %swap3A_29 = arith.constant 0 : index
    %swap3A_30 = arith.constant 0 : index
    %swap3A_31 = arith.constant 0 : index
    %swap3A_32 = vector.load %arg6[%swap3A_28, %swap3A_29, %swap3A_30, %swap3A_31] : memref<1x1x1x2000xf32, #tpu.memory_space<vmem>>, vector<1x1x1x2000xf32>
    tpu.vector_store %arg6[%swap3A_28, %swap3A_29, %swap3A_30, %swap3A_31], %broadcast_in_dim3A_27 {strides = array<i32>} : memref<1x1x1x2000xf32, #tpu.memory_space<vmem>>, vector<1x1x1x2000xf32>,
    %slice3A_33 = vector.extract_strided_slice %get3A_26 {offsets = [0, 0, 1], sizes = [1, 2000, 1], strides = [1, 1, 1]} : vector<1x2000x4xf32> to vector<1x2000x1xf32>
    %squeeze3A_34 = vector.shape_cast %slice3A_33 : vector<1x2000x1xf32> to vector<1x2000xf32>
    %broadcast_in_dim3A_35 = vector.shape_cast %squeeze3A_34 : vector<1x2000xf32> to vector<1x1x1x2000xf32>
    %swap3A_36 = arith.constant 0 : index
    %swap3A_37 = arith.constant 0 : index
    %swap3A_38 = arith.constant 0 : index
    %swap3A_39 = arith.constant 0 : index
    %swap3A_40 = vector.load %arg7[%swap3A_36, %swap3A_37, %swap3A_38, %swap3A_39] : memref<1x1x1x2000xf32, #tpu.memory_space<vmem>>, vector<1x1x1x2000xf32>
    tpu.vector_store %arg7[%swap3A_36, %swap3A_37, %swap3A_38, %swap3A_39], %broadcast_in_dim3A_35 {strides = array<i32>} : memref<1x1x1x2000xf32, #tpu.memory_space<vmem>>, vector<1x1x1x2000xf32>,
    %slice3A_41 = vector.extract_strided_slice %get3A_26 {offsets = [0, 0, 2], sizes = [1, 2000, 1], strides = [1, 1, 1]} : vector<1x2000x4xf32> to vector<1x2000x1xf32>
    %squeeze3A_42 = vector.shape_cast %slice3A_41 : vector<1x2000x1xf32> to vector<1x2000xf32>
    %broadcast_in_dim3A_43 = vector.shape_cast %squeeze3A_42 : vector<1x2000xf32> to vector<1x1x1x2000xf32>
    %swap3A_44 = arith.constant 0 : index
    %swap3A_45 = arith.constant 0 : index
    %swap3A_46 = arith.constant 0 : index
    %swap3A_47 = arith.constant 0 : index
    %swap3A_48 = vector.load %arg8[%swap3A_44, %swap3A_45, %swap3A_46, %swap3A_47] : memref<1x1x1x2000xf32, #tpu.memory_space<vmem>>, vector<1x1x1x2000xf32>
    tpu.vector_store %arg8[%swap3A_44, %swap3A_45, %swap3A_46, %swap3A_47], %broadcast_in_dim3A_43 {strides = array<i32>} : memref<1x1x1x2000xf32, #tpu.memory_space<vmem>>, vector<1x1x1x2000xf32>,
    %slice3A_49 = vector.extract_strided_slice %get3A_26 {offsets = [0, 0, 3], sizes = [1, 2000, 1], strides = [1, 1, 1]} : vector<1x2000x4xf32> to vector<1x2000x1xf32>
    %squeeze3A_50 = vector.shape_cast %slice3A_49 : vector<1x2000x1xf32> to vector<1x2000xf32>
    %broadcast_in_dim3A_51 = vector.shape_cast %squeeze3A_50 : vector<1x2000xf32> to vector<1x1x1x2000xf32>
    %swap3A_52 = arith.constant 0 : index
    %swap3A_53 = arith.constant 0 : index
    %swap3A_54 = arith.constant 0 : index
    %swap3A_55 = arith.constant 0 : index
    %swap3A_56 = vector.load %arg9[%swap3A_52, %swap3A_53, %swap3A_54, %swap3A_55] : memref<1x1x1x2000xf32, #tpu.memory_space<vmem>>, vector<1x1x1x2000xf32>
    tpu.vector_store %arg9[%swap3A_52, %swap3A_53, %swap3A_54, %swap3A_55], %broadcast_in_dim3A_51 {strides = array<i32>} : memref<1x1x1x2000xf32, #tpu.memory_space<vmem>>, vector<1x1x1x2000xf32>,
    return
  }
  func.func @transform_0(%arg0: i32, %arg1: i32) -> (i32, i32, i32) {
    %c0_i32 = arith.constant 0 : i32
    %c0_i32_0 = arith.constant 0 : i32
    return %arg0, %arg1, %c0_i32 : i32, i32, i32
  }
  func.func @transform_1(%arg0: i32, %arg1: i32) -> (i32, i32, i32) {
    %c0_i32 = arith.constant 0 : i32
    %c0_i32_0 = arith.constant 0 : i32
    return %arg0, %arg1, %c0_i32 : i32, i32, i32
  }
  func.func @transform_2(%arg0: i32, %arg1: i32) -> (i32, i32, i32, i32) {
    %c0_i32 = arith.constant 0 : i32
    %c0_i32_0 = arith.constant 0 : i32
    %c0_i32_1 = arith.constant 0 : i32
    return %arg0, %arg1, %c0_i32, %c0_i32_0 : i32, i32, i32, i32
  }
  func.func @transform_3(%arg0: i32, %arg1: i32) -> (i32, i32, i32, i32) {
    %c0_i32 = arith.constant 0 : i32
    %c0_i32_0 = arith.constant 0 : i32
    %c0_i32_1 = arith.constant 0 : i32
    return %arg0, %arg1, %c0_i32, %c0_i32_0 : i32, i32, i32, i32
  }
  func.func @transform_4(%arg0: i32, %arg1: i32) -> (i32, i32, i32, i32) {
    %c0_i32 = arith.constant 0 : i32
    %c0_i32_0 = arith.constant 0 : i32
    %c0_i32_1 = arith.constant 0 : i32
    return %arg0, %arg1, %c0_i32, %c0_i32_0 : i32, i32, i32, i32
  }
  func.func @transform_5(%arg0: i32, %arg1: i32) -> (i32, i32, i32, i32) {
    %c0_i32 = arith.constant 0 : i32
    %c0_i32_0 = arith.constant 0 : i32
    %c0_i32_1 = arith.constant 0 : i32
    return %arg0, %arg1, %c0_i32, %c0_i32_0 : i32, i32, i32, i32
  }
  func.func @transform_6(%arg0: i32, %arg1: i32) -> (i32, i32, i32, i32) {
    %c0_i32 = arith.constant 0 : i32
    %c0_i32_0 = arith.constant 0 : i32
    %c0_i32_1 = arith.constant 0 : i32
    return %arg0, %arg1, %c0_i32, %c0_i32_0 : i32, i32, i32, i32
  }
  func.func @transform_7(%arg0: i32, %arg1: i32) -> (i32, i32, i32, i32) {
    %c0_i32 = arith.constant 0 : i32
    %c0_i32_0 = arith.constant 0 : i32
    %c0_i32_1 = arith.constant 0 : i32
    return %arg0, %arg1, %c0_i32, %c0_i32_0 : i32, i32, i32, i32
  }
}

module attributes {stable_mosaic.version = 14 : i64} {
  func.func @_nms_body(%arg0: memref<8x20000xf32, #tpu.memory_space<vmem>>, %arg1: memref<8x20000xf32, #tpu.memory_space<vmem>>, %arg2: memref<8x20000xf32, #tpu.memory_space<vmem>>, %arg3: memref<8x20000xf32, #tpu.memory_space<vmem>>, %arg4: memref<8x20000xf32, #tpu.memory_space<vmem>>, %arg5: memref<8x320xf32, #tpu.memory_space<vmem>>, %arg6: memref<8x320xf32, #tpu.memory_space<vmem>>, %arg7: memref<8x320xf32, #tpu.memory_space<vmem>>, %arg8: memref<8x320xf32, #tpu.memory_space<vmem>>, %arg9: memref<8x320xf32, #tpu.memory_space<vmem>>, %arg10: memref<8x320xf32, #tpu.memory_space<vmem>>, %arg11: memref<8x320xf32, #tpu.memory_space<vmem>>, %arg12: memref<8x20000xf32, #tpu.memory_space<vmem>>, %arg13: memref<8x20000xf32, #tpu.memory_space<vmem>>) attributes {dimension_semantics = [], scalar_prefetch = 0 : i64, scratch_operands = 2 : i64, tpu.core_type = #tpu.core_type<tc>} {
    %get3A = arith.constant 0 : index
    %get3A_0 = arith.constant 0 : index
    %get3A_1 = vector.load %arg0[%get3A, %get3A_0] : memref<8x20000xf32, #tpu.memory_space<vmem>>, vector<8x20000xf32>
    %swap3A = arith.constant 0 : index
    %swap3A_2 = arith.constant 0 : index
    %swap3A_3 = vector.load %arg12[%swap3A, %swap3A_2] : memref<8x20000xf32, #tpu.memory_space<vmem>>, vector<8x20000xf32>
    tpu.vector_store %arg12[%swap3A, %swap3A_2], %get3A_1 {strides = array<i32>} : memref<8x20000xf32, #tpu.memory_space<vmem>>, vector<8x20000xf32>,
    %get3A_4 = arith.constant 0 : index
    %get3A_5 = arith.constant 0 : index
    %get3A_6 = vector.load %arg3[%get3A_4, %get3A_5] : memref<8x20000xf32, #tpu.memory_space<vmem>>, vector<8x20000xf32>
    %get3A_7 = arith.constant 0 : index
    %get3A_8 = arith.constant 0 : index
    %get3A_9 = vector.load %arg1[%get3A_7, %get3A_8] : memref<8x20000xf32, #tpu.memory_space<vmem>>, vector<8x20000xf32>
    %sub3A = arith.subf %get3A_6, %get3A_9 : vector<8x20000xf32>
    %get3A_10 = arith.constant 0 : index
    %get3A_11 = arith.constant 0 : index
    %get3A_12 = vector.load %arg4[%get3A_10, %get3A_11] : memref<8x20000xf32, #tpu.memory_space<vmem>>, vector<8x20000xf32>
    %get3A_13 = arith.constant 0 : index
    %get3A_14 = arith.constant 0 : index
    %get3A_15 = vector.load %arg2[%get3A_13, %get3A_14] : memref<8x20000xf32, #tpu.memory_space<vmem>>, vector<8x20000xf32>
    %sub3A_16 = arith.subf %get3A_12, %get3A_15 : vector<8x20000xf32>
    %mul3A = arith.mulf %sub3A, %sub3A_16 : vector<8x20000xf32>
    %swap3A_17 = arith.constant 0 : index
    %swap3A_18 = arith.constant 0 : index
    %swap3A_19 = vector.load %arg13[%swap3A_17, %swap3A_18] : memref<8x20000xf32, #tpu.memory_space<vmem>>, vector<8x20000xf32>
    tpu.vector_store %arg13[%swap3A_17, %swap3A_18], %mul3A {strides = array<i32>} : memref<8x20000xf32, #tpu.memory_space<vmem>>, vector<8x20000xf32>,
    %iota3A = tpu.iota {dimensions = array<i32: 1>} : vector<8x20000xi32>
    %convert_element_type3A = arith.sitofp %iota3A : vector<8x20000xi32> to vector<8x20000xf32>
    %iota3A_20 = tpu.iota {dimensions = array<i32: 1>} : vector<8x320xi32>
    %broadcast_in_dim3A = arith.constant -1.000000e+00 : f32
    %broadcast_in_dim3A_21 = vector.broadcast %broadcast_in_dim3A : f32 to vector<8x320xf32>
    %swap3A_22 = arith.constant 0 : index
    %swap3A_23 = arith.constant 0 : index
    %swap3A_24 = vector.load %arg5[%swap3A_22, %swap3A_23] : memref<8x320xf32, #tpu.memory_space<vmem>>, vector<8x320xf32>
    tpu.vector_store %arg5[%swap3A_22, %swap3A_23], %broadcast_in_dim3A_21 {strides = array<i32>} : memref<8x320xf32, #tpu.memory_space<vmem>>, vector<8x320xf32>,
    %broadcast_in_dim3A_25 = arith.constant -1.000000e+00 : f32
    %broadcast_in_dim3A_26 = vector.broadcast %broadcast_in_dim3A_25 : f32 to vector<8x320xf32>
    %swap3A_27 = arith.constant 0 : index
    %swap3A_28 = arith.constant 0 : index
    %swap3A_29 = vector.load %arg6[%swap3A_27, %swap3A_28] : memref<8x320xf32, #tpu.memory_space<vmem>>, vector<8x320xf32>
    tpu.vector_store %arg6[%swap3A_27, %swap3A_28], %broadcast_in_dim3A_26 {strides = array<i32>} : memref<8x320xf32, #tpu.memory_space<vmem>>, vector<8x320xf32>,
    %broadcast_in_dim3A_30 = arith.constant -1.000000e+00 : f32
    %broadcast_in_dim3A_31 = vector.broadcast %broadcast_in_dim3A_30 : f32 to vector<8x320xf32>
    %swap3A_32 = arith.constant 0 : index
    %swap3A_33 = arith.constant 0 : index
    %swap3A_34 = vector.load %arg7[%swap3A_32, %swap3A_33] : memref<8x320xf32, #tpu.memory_space<vmem>>, vector<8x320xf32>
    tpu.vector_store %arg7[%swap3A_32, %swap3A_33], %broadcast_in_dim3A_31 {strides = array<i32>} : memref<8x320xf32, #tpu.memory_space<vmem>>, vector<8x320xf32>,
    %broadcast_in_dim3A_35 = arith.constant -1.000000e+00 : f32
    %broadcast_in_dim3A_36 = vector.broadcast %broadcast_in_dim3A_35 : f32 to vector<8x320xf32>
    %swap3A_37 = arith.constant 0 : index
    %swap3A_38 = arith.constant 0 : index
    %swap3A_39 = vector.load %arg8[%swap3A_37, %swap3A_38] : memref<8x320xf32, #tpu.memory_space<vmem>>, vector<8x320xf32>
    tpu.vector_store %arg8[%swap3A_37, %swap3A_38], %broadcast_in_dim3A_36 {strides = array<i32>} : memref<8x320xf32, #tpu.memory_space<vmem>>, vector<8x320xf32>,
    %broadcast_in_dim3A_40 = arith.constant -1.000000e+00 : f32
    %broadcast_in_dim3A_41 = vector.broadcast %broadcast_in_dim3A_40 : f32 to vector<8x320xf32>
    %swap3A_42 = arith.constant 0 : index
    %swap3A_43 = arith.constant 0 : index
    %swap3A_44 = vector.load %arg9[%swap3A_42, %swap3A_43] : memref<8x320xf32, #tpu.memory_space<vmem>>, vector<8x320xf32>
    tpu.vector_store %arg9[%swap3A_42, %swap3A_43], %broadcast_in_dim3A_41 {strides = array<i32>} : memref<8x320xf32, #tpu.memory_space<vmem>>, vector<8x320xf32>,
    %broadcast_in_dim3A_45 = arith.constant -1.000000e+00 : f32
    %broadcast_in_dim3A_46 = vector.broadcast %broadcast_in_dim3A_45 : f32 to vector<8x320xf32>
    %swap3A_47 = arith.constant 0 : index
    %swap3A_48 = arith.constant 0 : index
    %swap3A_49 = vector.load %arg11[%swap3A_47, %swap3A_48] : memref<8x320xf32, #tpu.memory_space<vmem>>, vector<8x320xf32>
    tpu.vector_store %arg11[%swap3A_47, %swap3A_48], %broadcast_in_dim3A_46 {strides = array<i32>} : memref<8x320xf32, #tpu.memory_space<vmem>>, vector<8x320xf32>,
    %broadcast_in_dim3A_50 = arith.constant 0.000000e+00 : f32
    %broadcast_in_dim3A_51 = vector.broadcast %broadcast_in_dim3A_50 : f32 to vector<8x320xf32>
    %swap3A_52 = arith.constant 0 : index
    %swap3A_53 = arith.constant 0 : index
    %swap3A_54 = vector.load %arg10[%swap3A_52, %swap3A_53] : memref<8x320xf32, #tpu.memory_space<vmem>>, vector<8x320xf32>
    tpu.vector_store %arg10[%swap3A_52, %swap3A_53], %broadcast_in_dim3A_51 {strides = array<i32>} : memref<8x320xf32, #tpu.memory_space<vmem>>, vector<8x320xf32>,
    %scan3A = arith.constant 0 : i32
    %scan3A_55 = arith.constant 300 : i32
    %scan3A_56 = arith.addi %scan3A, %scan3A_55 : i32
    %scan3A_57 = arith.constant 1 : i32
    scf.for %scan3A_59 = %scan3A to %scan3A_56 step %scan3A_57  : i32 {
      %get3A_60 = arith.constant 0 : index
      %get3A_61 = arith.constant 0 : index
      %get3A_62 = vector.load %arg12[%get3A_60, %get3A_61] : memref<8x20000xf32, #tpu.memory_space<vmem>>, vector<8x20000xf32>
      %reduce_max3A = arith.constant dense<0xFF800000> : vector<8xf32>
      %reduce_max3A_63 = vector.multi_reduction <maximumf>, %get3A_62, %reduce_max3A [1] : vector<8x20000xf32> to vector<8xf32>
      %broadcast_in_dim3A_64 = vector.shape_cast %reduce_max3A_63 : vector<8xf32> to vector<8x1xf32>
      %gt3A = arith.constant -5.000000e+29 : f32
      %gt3A_65 = vector.broadcast %gt3A : f32 to vector<8x1xf32>
      %gt3A_66 = arith.cmpf ogt, %broadcast_in_dim3A_64, %gt3A_65 : vector<8x1xf32>
      %eq3A = vector.broadcast %broadcast_in_dim3A_64 : vector<8x1xf32> to vector<8x20000xf32>
      %eq3A_67 = arith.cmpf oeq, %get3A_62, %eq3A : vector<8x20000xf32>
      %jit3A = arith.constant 1.000000e+09 : f32
      %broadcast_in_dim3A_68 = vector.broadcast %jit3A : f32 to vector<8x20000xf32>
      %select_n3A = arith.select %eq3A_67, %convert_element_type3A, %broadcast_in_dim3A_68 : vector<8x20000xi1>, vector<8x20000xf32>
      %reduce_min3A = arith.constant dense<0x7F800000> : vector<8xf32>
      %reduce_min3A_69 = vector.multi_reduction <minimumf>, %select_n3A, %reduce_min3A [1] : vector<8x20000xf32> to vector<8xf32>
      %broadcast_in_dim3A_70 = vector.shape_cast %reduce_min3A_69 : vector<8xf32> to vector<8x1xf32>
      %eq3A_71 = vector.broadcast %broadcast_in_dim3A_70 : vector<8x1xf32> to vector<8x20000xf32>
      %eq3A_72 = arith.cmpf oeq, %convert_element_type3A, %eq3A_71 : vector<8x20000xf32>
      %get3A_73 = arith.constant 0 : index
      %get3A_74 = arith.constant 0 : index
      %get3A_75 = vector.load %arg1[%get3A_73, %get3A_74] : memref<8x20000xf32, #tpu.memory_space<vmem>>, vector<8x20000xf32>
      %get3A_76 = arith.constant 0 : index
      %get3A_77 = arith.constant 0 : index
      %get3A_78 = vector.load %arg2[%get3A_76, %get3A_77] : memref<8x20000xf32, #tpu.memory_space<vmem>>, vector<8x20000xf32>
      %get3A_79 = arith.constant 0 : index
      %get3A_80 = arith.constant 0 : index
      %get3A_81 = vector.load %arg3[%get3A_79, %get3A_80] : memref<8x20000xf32, #tpu.memory_space<vmem>>, vector<8x20000xf32>
      %get3A_82 = arith.constant 0 : index
      %get3A_83 = arith.constant 0 : index
      %get3A_84 = vector.load %arg4[%get3A_82, %get3A_83] : memref<8x20000xf32, #tpu.memory_space<vmem>>, vector<8x20000xf32>
      %jit3A_85 = arith.constant 0xFF800000 : f32
      %broadcast_in_dim3A_86 = vector.broadcast %jit3A_85 : f32 to vector<8x20000xf32>
      %select_n3A_87 = arith.select %eq3A_72, %get3A_75, %broadcast_in_dim3A_86 : vector<8x20000xi1>, vector<8x20000xf32>
      %reduce_max3A_88 = arith.constant dense<0xFF800000> : vector<8xf32>
      %reduce_max3A_89 = vector.multi_reduction <maximumf>, %select_n3A_87, %reduce_max3A_88 [1] : vector<8x20000xf32> to vector<8xf32>
      %broadcast_in_dim3A_90 = vector.shape_cast %reduce_max3A_89 : vector<8xf32> to vector<8x1xf32>
      %jit3A_91 = arith.constant 0xFF800000 : f32
      %broadcast_in_dim3A_92 = vector.broadcast %jit3A_91 : f32 to vector<8x20000xf32>
      %select_n3A_93 = arith.select %eq3A_72, %get3A_78, %broadcast_in_dim3A_92 : vector<8x20000xi1>, vector<8x20000xf32>
      %reduce_max3A_94 = arith.constant dense<0xFF800000> : vector<8xf32>
      %reduce_max3A_95 = vector.multi_reduction <maximumf>, %select_n3A_93, %reduce_max3A_94 [1] : vector<8x20000xf32> to vector<8xf32>
      %broadcast_in_dim3A_96 = vector.shape_cast %reduce_max3A_95 : vector<8xf32> to vector<8x1xf32>
      %jit3A_97 = arith.constant 0xFF800000 : f32
      %broadcast_in_dim3A_98 = vector.broadcast %jit3A_97 : f32 to vector<8x20000xf32>
      %select_n3A_99 = arith.select %eq3A_72, %get3A_81, %broadcast_in_dim3A_98 : vector<8x20000xi1>, vector<8x20000xf32>
      %reduce_max3A_100 = arith.constant dense<0xFF800000> : vector<8xf32>
      %reduce_max3A_101 = vector.multi_reduction <maximumf>, %select_n3A_99, %reduce_max3A_100 [1] : vector<8x20000xf32> to vector<8xf32>
      %broadcast_in_dim3A_102 = vector.shape_cast %reduce_max3A_101 : vector<8xf32> to vector<8x1xf32>
      %jit3A_103 = arith.constant 0xFF800000 : f32
      %broadcast_in_dim3A_104 = vector.broadcast %jit3A_103 : f32 to vector<8x20000xf32>
      %select_n3A_105 = arith.select %eq3A_72, %get3A_84, %broadcast_in_dim3A_104 : vector<8x20000xi1>, vector<8x20000xf32>
      %reduce_max3A_106 = arith.constant dense<0xFF800000> : vector<8xf32>
      %reduce_max3A_107 = vector.multi_reduction <maximumf>, %select_n3A_105, %reduce_max3A_106 [1] : vector<8x20000xf32> to vector<8xf32>
      %broadcast_in_dim3A_108 = vector.shape_cast %reduce_max3A_107 : vector<8xf32> to vector<8x1xf32>
      %sub3A_109 = arith.subf %broadcast_in_dim3A_102, %broadcast_in_dim3A_90 : vector<8x1xf32>
      %sub3A_110 = arith.subf %broadcast_in_dim3A_108, %broadcast_in_dim3A_96 : vector<8x1xf32>
      %mul3A_111 = arith.mulf %sub3A_109, %sub3A_110 : vector<8x1xf32>
      %max3A = vector.broadcast %broadcast_in_dim3A_90 : vector<8x1xf32> to vector<8x20000xf32>
      %max3A_112 = arith.maximumf %max3A, %get3A_75 : vector<8x20000xf32>
      %max3A_113 = vector.broadcast %broadcast_in_dim3A_96 : vector<8x1xf32> to vector<8x20000xf32>
      %max3A_114 = arith.maximumf %max3A_113, %get3A_78 : vector<8x20000xf32>
      %min3A = vector.broadcast %broadcast_in_dim3A_102 : vector<8x1xf32> to vector<8x20000xf32>
      %min3A_115 = arith.minimumf %min3A, %get3A_81 : vector<8x20000xf32>
      %min3A_116 = vector.broadcast %broadcast_in_dim3A_108 : vector<8x1xf32> to vector<8x20000xf32>
      %min3A_117 = arith.minimumf %min3A_116, %get3A_84 : vector<8x20000xf32>
      %sub3A_118 = arith.subf %min3A_115, %max3A_112 : vector<8x20000xf32>
      %max3A_119 = arith.constant 0.000000e+00 : f32
      %max3A_120 = vector.broadcast %max3A_119 : f32 to vector<8x20000xf32>
      %max3A_121 = arith.maximumf %sub3A_118, %max3A_120 : vector<8x20000xf32>
      %sub3A_122 = arith.subf %min3A_117, %max3A_114 : vector<8x20000xf32>
      %max3A_123 = arith.constant 0.000000e+00 : f32
      %max3A_124 = vector.broadcast %max3A_123 : f32 to vector<8x20000xf32>
      %max3A_125 = arith.maximumf %sub3A_122, %max3A_124 : vector<8x20000xf32>
      %mul3A_126 = arith.mulf %max3A_121, %max3A_125 : vector<8x20000xf32>
      %get3A_127 = arith.constant 0 : index
      %get3A_128 = arith.constant 0 : index
      %get3A_129 = vector.load %arg13[%get3A_127, %get3A_128] : memref<8x20000xf32, #tpu.memory_space<vmem>>, vector<8x20000xf32>
      %add3A = vector.broadcast %mul3A_111 : vector<8x1xf32> to vector<8x20000xf32>
      %add3A_130 = arith.addf %add3A, %get3A_129 : vector<8x20000xf32>
      %sub3A_131 = arith.subf %add3A_130, %mul3A_126 : vector<8x20000xf32>
      %max3A_132 = arith.constant 9.99999993E-9 : f32
      %max3A_133 = vector.broadcast %max3A_132 : f32 to vector<8x20000xf32>
      %max3A_134 = arith.maximumf %sub3A_131, %max3A_133 : vector<8x20000xf32>
      %div3A = arith.divf %mul3A_126, %max3A_134 : vector<8x20000xf32>
      %gt3A_135 = arith.constant 5.000000e-01 : f32
      %gt3A_136 = vector.broadcast %gt3A_135 : f32 to vector<8x20000xf32>
      %gt3A_137 = arith.cmpf ogt, %div3A, %gt3A_136 : vector<8x20000xf32>
      %or3A = arith.ori %gt3A_137, %eq3A_72 : vector<8x20000xi1>
      %and3A = vector.broadcast %gt3A_66 : vector<8x1xi1> to vector<8x20000xi1>
      %and3A_138 = arith.andi %or3A, %and3A : vector<8x20000xi1>
      %jit3A_139 = arith.constant -1.000000e+30 : f32
      %broadcast_in_dim3A_140 = vector.broadcast %jit3A_139 : f32 to vector<8x20000xf32>
      %select_n3A_141 = arith.select %and3A_138, %broadcast_in_dim3A_140, %get3A_62 : vector<8x20000xi1>, vector<8x20000xf32>
      %swap3A_142 = arith.constant 0 : index
      %swap3A_143 = arith.constant 0 : index
      %swap3A_144 = vector.load %arg12[%swap3A_142, %swap3A_143] : memref<8x20000xf32, #tpu.memory_space<vmem>>, vector<8x20000xf32>
      tpu.vector_store %arg12[%swap3A_142, %swap3A_143], %select_n3A_141 {strides = array<i32>} : memref<8x20000xf32, #tpu.memory_space<vmem>>, vector<8x20000xf32>,
      %eq3A_145 = vector.broadcast %scan3A_59 : i32 to vector<8x320xi32>
      %eq3A_146 = arith.cmpi eq, %iota3A_20, %eq3A_145 : vector<8x320xi32>
      %and3A_147 = vector.broadcast %gt3A_66 : vector<8x1xi1> to vector<8x320xi1>
      %and3A_148 = arith.andi %eq3A_146, %and3A_147 : vector<8x320xi1>
      %get3A_149 = arith.constant 0 : index
      %get3A_150 = arith.constant 0 : index
      %get3A_151 = vector.load %arg5[%get3A_149, %get3A_150] : memref<8x320xf32, #tpu.memory_space<vmem>>, vector<8x320xf32>
      %broadcast_in_dim3A_152 = vector.shape_cast %broadcast_in_dim3A_90 : vector<8x1xf32> to vector<8x1xf32>
      %broadcast_in_dim3A_153 = vector.broadcast %broadcast_in_dim3A_152 : vector<8x1xf32> to vector<8x320xf32>
      %select_n3A_154 = arith.select %and3A_148, %broadcast_in_dim3A_153, %get3A_151 : vector<8x320xi1>, vector<8x320xf32>
      %swap3A_155 = arith.constant 0 : index
      %swap3A_156 = arith.constant 0 : index
      %swap3A_157 = vector.load %arg5[%swap3A_155, %swap3A_156] : memref<8x320xf32, #tpu.memory_space<vmem>>, vector<8x320xf32>
      tpu.vector_store %arg5[%swap3A_155, %swap3A_156], %select_n3A_154 {strides = array<i32>} : memref<8x320xf32, #tpu.memory_space<vmem>>, vector<8x320xf32>,
      %get3A_158 = arith.constant 0 : index
      %get3A_159 = arith.constant 0 : index
      %get3A_160 = vector.load %arg6[%get3A_158, %get3A_159] : memref<8x320xf32, #tpu.memory_space<vmem>>, vector<8x320xf32>
      %broadcast_in_dim3A_161 = vector.shape_cast %broadcast_in_dim3A_96 : vector<8x1xf32> to vector<8x1xf32>
      %broadcast_in_dim3A_162 = vector.broadcast %broadcast_in_dim3A_161 : vector<8x1xf32> to vector<8x320xf32>
      %select_n3A_163 = arith.select %and3A_148, %broadcast_in_dim3A_162, %get3A_160 : vector<8x320xi1>, vector<8x320xf32>
      %swap3A_164 = arith.constant 0 : index
      %swap3A_165 = arith.constant 0 : index
      %swap3A_166 = vector.load %arg6[%swap3A_164, %swap3A_165] : memref<8x320xf32, #tpu.memory_space<vmem>>, vector<8x320xf32>
      tpu.vector_store %arg6[%swap3A_164, %swap3A_165], %select_n3A_163 {strides = array<i32>} : memref<8x320xf32, #tpu.memory_space<vmem>>, vector<8x320xf32>,
      %get3A_167 = arith.constant 0 : index
      %get3A_168 = arith.constant 0 : index
      %get3A_169 = vector.load %arg7[%get3A_167, %get3A_168] : memref<8x320xf32, #tpu.memory_space<vmem>>, vector<8x320xf32>
      %broadcast_in_dim3A_170 = vector.shape_cast %broadcast_in_dim3A_102 : vector<8x1xf32> to vector<8x1xf32>
      %broadcast_in_dim3A_171 = vector.broadcast %broadcast_in_dim3A_170 : vector<8x1xf32> to vector<8x320xf32>
      %select_n3A_172 = arith.select %and3A_148, %broadcast_in_dim3A_171, %get3A_169 : vector<8x320xi1>, vector<8x320xf32>
      %swap3A_173 = arith.constant 0 : index
      %swap3A_174 = arith.constant 0 : index
      %swap3A_175 = vector.load %arg7[%swap3A_173, %swap3A_174] : memref<8x320xf32, #tpu.memory_space<vmem>>, vector<8x320xf32>
      tpu.vector_store %arg7[%swap3A_173, %swap3A_174], %select_n3A_172 {strides = array<i32>} : memref<8x320xf32, #tpu.memory_space<vmem>>, vector<8x320xf32>,
      %get3A_176 = arith.constant 0 : index
      %get3A_177 = arith.constant 0 : index
      %get3A_178 = vector.load %arg8[%get3A_176, %get3A_177] : memref<8x320xf32, #tpu.memory_space<vmem>>, vector<8x320xf32>
      %broadcast_in_dim3A_179 = vector.shape_cast %broadcast_in_dim3A_108 : vector<8x1xf32> to vector<8x1xf32>
      %broadcast_in_dim3A_180 = vector.broadcast %broadcast_in_dim3A_179 : vector<8x1xf32> to vector<8x320xf32>
      %select_n3A_181 = arith.select %and3A_148, %broadcast_in_dim3A_180, %get3A_178 : vector<8x320xi1>, vector<8x320xf32>
      %swap3A_182 = arith.constant 0 : index
      %swap3A_183 = arith.constant 0 : index
      %swap3A_184 = vector.load %arg8[%swap3A_182, %swap3A_183] : memref<8x320xf32, #tpu.memory_space<vmem>>, vector<8x320xf32>
      tpu.vector_store %arg8[%swap3A_182, %swap3A_183], %select_n3A_181 {strides = array<i32>} : memref<8x320xf32, #tpu.memory_space<vmem>>, vector<8x320xf32>,
      %get3A_185 = arith.constant 0 : index
      %get3A_186 = arith.constant 0 : index
      %get3A_187 = vector.load %arg9[%get3A_185, %get3A_186] : memref<8x320xf32, #tpu.memory_space<vmem>>, vector<8x320xf32>
      %broadcast_in_dim3A_188 = vector.shape_cast %broadcast_in_dim3A_64 : vector<8x1xf32> to vector<8x1xf32>
      %broadcast_in_dim3A_189 = vector.broadcast %broadcast_in_dim3A_188 : vector<8x1xf32> to vector<8x320xf32>
      %select_n3A_190 = arith.select %and3A_148, %broadcast_in_dim3A_189, %get3A_187 : vector<8x320xi1>, vector<8x320xf32>
      %swap3A_191 = arith.constant 0 : index
      %swap3A_192 = arith.constant 0 : index
      %swap3A_193 = vector.load %arg9[%swap3A_191, %swap3A_192] : memref<8x320xf32, #tpu.memory_space<vmem>>, vector<8x320xf32>
      tpu.vector_store %arg9[%swap3A_191, %swap3A_192], %select_n3A_190 {strides = array<i32>} : memref<8x320xf32, #tpu.memory_space<vmem>>, vector<8x320xf32>,
      %get3A_194 = arith.constant 0 : index
      %get3A_195 = arith.constant 0 : index
      %get3A_196 = vector.load %arg10[%get3A_194, %get3A_195] : memref<8x320xf32, #tpu.memory_space<vmem>>, vector<8x320xf32>
      %broadcast_in_dim3A_197 = vector.shape_cast %broadcast_in_dim3A_70 : vector<8x1xf32> to vector<8x1xf32>
      %broadcast_in_dim3A_198 = vector.broadcast %broadcast_in_dim3A_197 : vector<8x1xf32> to vector<8x320xf32>
      %select_n3A_199 = arith.select %eq3A_146, %broadcast_in_dim3A_198, %get3A_196 : vector<8x320xi1>, vector<8x320xf32>
      %swap3A_200 = arith.constant 0 : index
      %swap3A_201 = arith.constant 0 : index
      %swap3A_202 = vector.load %arg10[%swap3A_200, %swap3A_201] : memref<8x320xf32, #tpu.memory_space<vmem>>, vector<8x320xf32>
      tpu.vector_store %arg10[%swap3A_200, %swap3A_201], %select_n3A_199 {strides = array<i32>} : memref<8x320xf32, #tpu.memory_space<vmem>>, vector<8x320xf32>,
      %get3A_203 = arith.constant 0 : index
      %get3A_204 = arith.constant 0 : index
      %get3A_205 = vector.load %arg11[%get3A_203, %get3A_204] : memref<8x320xf32, #tpu.memory_space<vmem>>, vector<8x320xf32>
      %jit3A_206 = arith.constant 1.000000e+00 : f32
      %broadcast_in_dim3A_207 = vector.broadcast %jit3A_206 : f32 to vector<8x320xf32>
      %select_n3A_208 = arith.select %and3A_148, %broadcast_in_dim3A_207, %get3A_205 : vector<8x320xi1>, vector<8x320xf32>
      %swap3A_209 = arith.constant 0 : index
      %swap3A_210 = arith.constant 0 : index
      %swap3A_211 = vector.load %arg11[%swap3A_209, %swap3A_210] : memref<8x320xf32, #tpu.memory_space<vmem>>, vector<8x320xf32>
      tpu.vector_store %arg11[%swap3A_209, %swap3A_210], %select_n3A_208 {strides = array<i32>} : memref<8x320xf32, #tpu.memory_space<vmem>>, vector<8x320xf32>,
    }
    %scan3A_58 = arith.constant 300 : i32
    return
  }
}

</mosaic_0001>

<sc_bundles>
// kernel: kernel.5.cloned.1.call-start
scs
__scs_entry_jumppad:
0x0: {  	(pc) =	sbr.rel $0x88, $3  }
0x1: {  	(tag) =	ssettag $0x0;
	lr =	simm.s32 $0x1  }
0x2: {  	[smem:$0x3F9E] =	sst lr;
	_ =	strace $0xD0000000  }
0x3: {  	_ = 	snop  }
0x4: {  	_ = 	snop  }
0x5: {  	_ = 	snop  }
0x6: {  	_ = 	snop  }
0x7: {  	_ = 	snop  }
__scs_overlays_trampoline_lowered:
0x8: {  	[smem:$0x3FAD] =	sst s0  }
0x9: {  	[smem:$0x3FAE] =	sst s1  }
0xa: {  	[smem:$0x3FAF] =	sst s2  }
0xb: {  	[smem:$0x3FB0] =	sst s3  }
0xc: {  	[smem:$0x3FB1] =	sst s4  }
0xd: {  	[smem:$0x3FB2] =	sst s5  }
0xe: {  	[smem:$0x3FB3] =	sst s6  }
0xf: {  	[smem:$0x3FB4] =	sst s7  }
0x10: {  	[smem:$0x3FB5] =	sst s8  }
0x11: {  	[smem:$0x3FB6] =	sst s9;
	s0 =	simm.s32 @!p0 $0x0  }
0x12: {  	s1 =	sld [smem:$0x3F9C];
	s0 =	simm.s32 @p0 $0x1  }
0x13: {  	[smem:$0x3FB7] =	sst s0;
	s0 =	simm.s32 @!p1 $0x0  }
0x14: {  	s2 =	sld [smem:$0x3F9B];
	s0 =	simm.s32 @p1 $0x1  }
0x15: {  	[smem:$0x3FB8] =	sst s0;
	s0 =	simm.s32 @!p2 $0x0  }
0x16: {  	s3 =	sld [smem:$0x3FDB];
	s0 =	simm.s32 @p2 $0x1  }
0x17: {  	s4 =	simm.s32 $0x1BF5;
	[smem:$0x3FBA] =	sst s0  }
0x18: {  	s0 =	sld [smem:$0x3F9D];
	_ =	swait.ge [sflag:s4], $0x0  }
0x19: {  	s7 =	sld [smem:$0x3F9E]  }
0x1a: {  	s8 =	sadd.s32 $0xFFFFE003, lr  }
0x1b: {  	s9 =	sadd.s32 $0xFFFFFEF7, lr;
	s5 =	simm.s32 $0xFFFFFFFF;
	p2 =	slt.u32 s8, $0xFFFFF086  }
0x1c: {  	p1 =	slt.u32 s9, $0xF7A;
	s5 =	simm.s32 @!p2 $0x0  }
0x1d: {  	s5 =	simm.s32 @p1 $0x1;
	p0 =	seq.s32 s7, s2  }
0x1e: {  	s7 =	smul.u32 @!p0 $0xF7A, s2;
	p2 =	seq.s32 @!p0 s5, $0x0  }
0x1f: {  	s9 =	smul.u32 $0xF7A, s1;
	s8 =	simm.s32 @!p0 $0x1BF5;
	p2 =	por !p2, p0  }
0x20: {  	[sflag:s8] =	ssyncset.s32 @!p0 $0xFFFFF086;
	s6 =	sadd.s32 @!p0 s3, s7;
	s7 =	simm.s32 @!p0 $0x108  }
0x21: {  	s3 =	sadd.s32 s3, s9;
	s6 =	sadd.s32 @!p0 $0x88, s6;
	s7 =	simm.s32 @p2 $0x1082  }
0x22: {  	[simem:s7], [sflag:s8] =	dma.local @!p0 [hbm:s6], $0xF7A  }
0x23: {  	s9 =	sor.u32 $0xD0000000, s2;
	s6 =	simm.s32 $0x108;
	_ =	swait.ge @!p0 [sflag:s8], $0x0  }
0x24: {  	s3 =	sadd.s32 $0x88, s3;
	s6 =	simm.s32 @!p1 $0x1082;
	[sflag:s4] =	ssyncset.s32 $0xFFFFF086  }
0x25: {  	[simem:s6], [sflag:s4] =	dma.local [hbm:s3], $0xF7A  }
0x26: {  	[smem:$0x3F9E] =	sst s1;
	(tag) =	ssettag s2;
	_ =	strace s9  }
0x27: {  	s1 =	sld [smem:$0x3FAE]  }
0x28: {  	s2 =	sld [smem:$0x3FAF]  }
0x29: {  	s4 =	sld [smem:$0x3FB1]  }
0x2a: {  	p0 =	seq.s32 s5, $0x0;
	s5 =	sld [smem:$0x3FB2]  }
0x2b: {  	s6 =	sld [smem:$0x3FB3]  }
0x2c: {  	s7 =	sld [smem:$0x3FB4]  }
0x2d: {  	s3 =	simm.s32 $0x108;
	s8 =	sld [smem:$0x3FB5]  }
0x2e: {  	s3 =	simm.s32 @!p0 $0x1082;
	s9 =	sld [smem:$0x3FB6]  }
0x2f: {  	lr =	sadd.s32 s0, s3;
	s0 =	sld [smem:$0x3FAD]  }
0x30: {  	s3 =	sld [smem:$0x3FB0]  }
0x31: {  	[smem:$0x3FB9] =	sst s10  }
0x32: {  	s10 =	sld [smem:$0x3FB7];
	_ =	sdelay $0x3  }
0x33: {  	p0 =	seq.s32 s10, $0x1;
	s10 =	sld [smem:$0x3FB9];
	_ =	sdelay $0x3  }
0x34: {  	[smem:$0x3FB9] =	sst s10  }
0x35: {  	s10 =	sld [smem:$0x3FB8];
	_ =	sdelay $0x3  }
0x36: {  	p1 =	seq.s32 s10, $0x1;
	s10 =	sld [smem:$0x3FB9];
	_ =	sdelay $0x3  }
0x37: {  	[smem:$0x3FB9] =	sst s10  }
0x38: {  	s10 =	sld [smem:$0x3FBA]  }
0x39: {  	_ = 	snop;
	(pc) =	sbr.ind lr, $3  }
0x3a: {  	_ = 	snop  }
0x3b: {  	_ = 	snop  }
0x3c: {  	p2 =	seq.s32 s10, $0x1;
	s10 =	sld [smem:$0x3FB9]  }
0x3d: {  	_ =	shalt  }
0x3e: {  	_ =	shalt  }
0x3f: {  	_ =	shalt  }
0x40: {  	_ =	shalt  }
0x41: {  	_ =	shalt  }
0x42: {  	_ =	shalt  }
0x43: {  	_ =	shalt  }
0x44: {  	_ =	shalt  }
0x45: {  	_ =	shalt  }
0x46: {  	_ =	shalt  }
0x47: {  	_ =	shalt  }
0x48: {  	_ =	shalt  }
0x49: {  	_ =	shalt  }
0x4a: {  	_ =	shalt  }
0x4b: {  	_ =	shalt  }
0x4c: {  	_ =	shalt  }
0x4d: {  	_ =	shalt  }
0x4e: {  	_ =	shalt  }
0x4f: {  	_ =	shalt  }
0x50: {  	_ =	shalt  }
0x51: {  	_ =	shalt  }
0x52: {  	_ =	shalt  }
0x53: {  	_ =	shalt  }
0x54: {  	_ =	shalt  }
0x55: {  	_ =	shalt  }
0x56: {  	_ =	shalt  }
0x57: {  	_ =	shalt  }
0x58: {  	_ =	shalt  }
0x59: {  	_ =	shalt  }
0x5a: {  	_ =	shalt  }
0x5b: {  	_ =	shalt  }
0x5c: {  	_ =	shalt  }
0x5d: {  	_ =	shalt  }
0x5e: {  	_ =	shalt  }
0x5f: {  	_ =	shalt  }
0x60: {  	_ =	shalt  }
0x61: {  	_ =	shalt  }
0x62: {  	_ =	shalt  }
0x63: {  	_ =	shalt  }
0x64: {  	_ =	shalt  }
0x65: {  	_ =	shalt  }
0x66: {  	_ =	shalt  }
0x67: {  	_ =	shalt  }
0x68: {  	_ =	shalt  }
0x69: {  	_ =	shalt  }
0x6a: {  	_ =	shalt  }
0x6b: {  	_ =	shalt  }
0x6c: {  	_ =	shalt  }
0x6d: {  	_ =	shalt  }
0x6e: {  	_ =	shalt  }
0x6f: {  	_ =	shalt  }
0x70: {  	_ =	shalt  }
0x71: {  	_ =	shalt  }
0x72: {  	_ =	shalt  }
0x73: {  	_ =	shalt  }
0x74: {  	_ =	shalt  }
0x75: {  	_ =	shalt  }
0x76: {  	_ =	shalt  }
0x77: {  	_ =	shalt  }
0x78: {  	_ =	shalt  }
0x79: {  	_ =	shalt  }
0x7a: {  	_ =	shalt  }
0x7b: {  	_ =	shalt  }
0x7c: {  	_ =	shalt  }
0x7d: {  	_ =	shalt  }
0x7e: {  	_ =	shalt  }
0x7f: {  	_ =	shalt  }
0x80: {  	_ =	shalt  }
0x81: {  	_ =	shalt  }
0x82: {  	_ =	shalt  }
0x83: {  	_ =	shalt  }
0x84: {  	_ =	shalt  }
0x85: {  	_ =	shalt  }
0x86: {  	_ =	shalt  }
0x87: {  	_ =	shalt  }
.Lfunc_end0:
.L_simem_size_0:
called_computation_lowered:
.L_overlay_start_0:
0x88: {  	s2 =	sld [smem:$0x3FD9]  }
0x89: {  	s3 =	sld [smem:$0x3FFE];
	_ =	sdelay $0x1  }
0x8a: {  	s1 =	srdreg.scid  }
0x8b: {  	s0 =	sand.u32 $0x1, s1  }
0x8c: {  	s14 =	sshll.u32 s0, $0xA;
	s2 =	sadd.s32 s3, s2  }
0x8d: {  	s2 =	sadd.s32 s2, s14  }
0x8e: {  	[smem:$0x3FC5] =	sst s2  }
0x8f: {  	_ = 	snop  }
0x90: {  	s2 =	sld [smem:$0x3FD0];
	_ =	sdelay $0x2  }
0x91: {  	s15 =	simm.s32 $0xA;
	s4 =	simm.s32 $0x10  }
0x92: {  	[smem:s4], [sflag:s15] =	dma.local [hbm:s2], $0x1  }
0x93: {  	_ =	swait.eq [sflag:s15], $0x1  }
0x94: {  	s16 =	sld [smem:$0x12];
	[sflag:s15] =	ssyncset.done $0x0  }
0x95: {  	s17 =	sld [smem:$0x13];
	[sflag:s15] =	ssyncadd.s32 $0xFFFFFFFF  }
0x96: {  	s18 =	sld [smem:$0x14];
	(tm) =	ssettm $0x1  }
0x97: {  	s5 =	sld [smem:$0x3FFB];
	_ =	sdelay $0x3  }
0x98: {  	_ =	strace s5  }
0x99: {  	s5 =	sld [smem:$0x3FFC];
	_ =	sdelay $0x3  }
0x9a: {  	_ =	strace s5  }
0x9b: {  	s5 =	sld [smem:$0x3FFD];
	_ =	sdelay $0x3  }
0x9c: {  	_ =	strace s5  }
0x9d: {  	_ =	strace $0x8FFFFFFF  }
0x9e: {  	s19 =	sld [smem:$0x3FDB];
	_ =	sdelay $0x1  }
0x9f: {  	s6 =	simm.s32 $_scs_section_size  }
0xa0: {  	s7 =	simm.s32 $_size__tile_overlayer_lowered;
	s8 =	simm.s32 $_tile_overlayer_lowered  }
0xa1: {  	s22 =	simm.s32 $0x1BFF;
	s21 =	sshll.u32 s8, $0x1;
	s5 =	sadd.s32 s6, s19  }
0xa2: {  	s9 =	simm.s32 $0x0;
	s20 =	sshll.u32 s7, $0x1;
	s7 =	sadd.s32 s21, s5  }
0xa3: {  	[timem:s9], [sflag:s22] =	dma.local [hbm:s7], s20  }
0xa4: {  	_ =	swait.ge [sflag:s22], s20  }
0xa5: {  	s6 =	ssub.s32 $0x0, s20;
	[sflag:s22] =	ssyncset.done $0x0  }
0xa6: {  	[sflag:s22] =	ssyncadd.s32 s6;
	_ =	sdelay $0x1  }
0xa7: {  	s23 =	simm.s32 $0x1B8B  }
0xa8: {  	_ =	swait.ge [sflag:s23], $0x1  }
0xa9: {  	[sflag:s23] =	ssyncset.done $0x0  }
0xaa: {  	s25 =	simm.s32 $0x1B8E;
	s24 =	sld [smem:$0x3FFE];
	[sflag:s23] =	ssyncadd.s32 $0xFFFFFFFF  }
0xab: {  	s26 =	simm.s32 $execute0_lowered;
	[smem:$0x3FD2] =	sst s25  }
0xac: {  	s7 =	sshll.u32 s26, $0x1;
	_ =	strace $0x80000046;
	[dreg:$0x1] =	wrdreg $0xFFFFFFFF  }
0xad: {  	s28 =	simm.s32 $_size_execute0_lowered;
	s5 =	sadd.s32 s5, s7;
	[dreg:$0x0] =	wrdreg $0x0  }
0xae: {  	s7 =	sshll.u32 s28, $0x1;
	[dreg:$0x2] =	wrdreg s5  }
0xaf: {  	[dreg:$0x3] =	wrdreg s7  }
0xb0: {  	[dreg:$0x4] =	wrdreg $0xC0  }
0xb1: {  	_ =	task [dreg:s9], $0x5FFFF  }
0xb2: {  	[dreg:$0x1] =	wrdreg $0xFFFFFFFF  }
0xb3: {  	[dreg:$0x0] =	wrdreg $0x60  }
0xb4: {  	[dreg:$0x2] =	wrdreg s24  }
0xb5: {  	[dreg:$0x3] =	wrdreg s17  }
0xb6: {  	[dreg:$0x4] =	wrdreg s16  }
0xb7: {  	[dreg:$0x5] =	wrdreg s18  }
0xb8: {  	[dreg:$0x6] =	wrdreg $0x9  }
0xb9: {  	_ =	task.clear_ibuf [dreg:s9], $0x7FFFF;
	_ =	strace $0x90000046  }
0xba: {  	s29 =	simm.s32 $0x9;
	_ =	strace $0x80000048  }
0xbb: {  	_ =	swait.ge [sflag:s29], $0x1  }
0xbc: {  	[sflag:s29] =	ssyncadd.s32 $0xFFFFFFFF  }
0xbd: {  	_ =	strace $0x90000048  }
0xbe: {  	_ =	sfence  }
0xbf: {  	s30 =	sld [smem:$0x0];
	_ =	sdelay $0x2  }
0xc0: {  	s31 =	sshll.u32 s1, $0xD;
	s1 =	sshrl.u32 s1, $0x2  }
0xc1: {  	s3 =	sand.u32 $0x4000, s31;
	s1 =	sadd.s32 s1, s30  }
0xc2: {  	s0 =	sor.u32 s3, s0;
	s1 =	sshll.u32 s1, $0x11  }
0xc3: {  	s0 =	sor.u32 s1, s0  }
0xc4: {  	s0 =	sadd.s32 $0x8F2B, s0  }
0xc5: {  	[sflag:s0] =	ssyncadd.remote.s32 $0x1  }
0xc6: {  	_ =	sfence.sel $0xFFFF  }
0xc7: {  	[dreg:$0x0] =	wrdreg $0xFFFFFFFF;
	(pc) =	sbr.abs _section_cstart, $3  }
0xc8: {  	[dreg:$0x1] =	wrdreg $0xFFFFFFFF  }
0xc9: {  	_ =	task.clear_ibuf [dreg:s9], $0x2FFFF;
	_ =	strace $0x9FFFFFFF  }
0xca: {  	(tm) =	ssettm $0x7FFFFFFF  }
0xcb: {  	_ =	shalt  }
tec
execute0_lowered:
.L_overlay_start_1:
0x0: {  	(tag) =	ssettag $0x1  }
0x1: {  	s6 =	rddreg [dreg:$0x0]  }
0x2: {  	s4 =	rddreg [dreg:$0x1]  }
0x3: {  	s5 =	rddreg [dreg:$0x2]  }
0x4: {  	s7 =	rddreg [dreg:$0x3];
	s1 =	stileid.u32  }
0x5: {  	s0 =	rddreg [dreg:$0x4];
	s2 =	srdreg.scid;
	s12 =	simm.s32 $0x50  }
0x6: {  	s13 =	simm.s32 $0x1090;
	s14 =	simm.s32 $0x1;
	s15 =	simm.s32 $0x6E50  }
0x7: {  	s17 =	simm.s32 $0x6EF0;
	s3 =	sshll.u32 s1, $0x1;
	s9 =	sshrl.u32 s1, $0x1  }
0x8: {  	s8 =	sand.u32 $0x1, s2;
	s3 =	sand.u32 $0x2, s3;
	s10 =	smul.u32 $0x140, s9  }
0x9: {  	s2 =	simm.s32 $0x0;
	s16 =	smul.u32 $0x4E20, s9;
	s3 =	sor.u32 s8, s3  }
0xa: {  	[smem:$0x7FF] =	sst s2;
	s8 =	ssub.s32 $0x2, s8;
	s3 =	smul.u32 $0x50, s3  }
0xb: {  	s18 =	simm.s32 $0x0;
	_ =	strace $0x80000047;
	s30 =	sshrl.u32 s8, $0x1  }
0xc: {  	s31 =	sshrl.u32 s16, $0x3;
	v0 =	vmov s16;
	s16 =	simm.s32 $0x6EA0;
	s10 =	sadd.s32 s10, s3  }
0xd: {  	s3 =	sadd.s32 $0x276000, s6;
	s29 =	sshrl.u32 s10, $0x3;
	s10 =	ssub.s32 s8, s30  }
0xe: {  	s11 =	sadd.s32 s29, s6;
	s4 =	sadd.s32 s4, s29;
	s5 =	sadd.s32 s5, s29  }
0xf: {  	s6 =	sadd.s32 s6, s31;
	s7 =	sadd.s32 s7, s29;
	s10 =	smax.u32 s10, $0x1  }
0x10: {  	s8 =	sadd.s32 $0x5000, s11;
	s9 =	sadd.s32 $0x5200, s11;
	s11 =	simm.s32 $0x2  }
.LBB2_1:
0x11: {  	[tilespmem:s2], [sflag:$0x2] =	stream.linear.gather [hbm4b:s4+s2], $0x50, $0x38;
	[tilespmem:$0x6F40] =	vst v63  }
0x12: {  	_ =	swait.ge [sflag:s11], $0x50  }
0x13: {  	[sflag:s11] =	ssyncset.done $0x0  }
0x14: {  	[sflag:s11] =	ssyncadd.s32 $0xFFFFFFB0  }
0x15: {  	[tilespmem:s12], [sflag:$0x2] =	stream.linear.gather [hbm4b:s5+s2], $0x50, $0x38;
	[tilespmem:$0x6F40] =	vst v63  }
0x16: {  	_ =	swait.ge [sflag:s11], $0x50  }
0x17: {  	[sflag:s11] =	ssyncset.done $0x0  }
0x18: {  	[sflag:s11] =	ssyncadd.s32 $0xFFFFFFB0  }
0x19: {  	v1 =	vld [tilespmem:$0x0]  }
0x1a: {  	v2 =	vld [tilespmem:$0x10]  }
0x1b: {  	v3 =	vld [tilespmem:$0x20]  }
0x1c: {  	v4 =	vld [tilespmem:$0x30]  }
0x1d: {  	v5 =	vld [tilespmem:$0x40]  }
0x1e: {  	v1 =	vtrunc.f32 v1  }
0x1f: {  	v2 =	vtrunc.f32 v2;
	v1 =	vcvt.f32.s32 v1  }
0x20: {  	v3 =	vtrunc.f32 v3;
	v2 =	vcvt.f32.s32 v2  }
0x21: {  	v4 =	vtrunc.f32 v4;
	v3 =	vcvt.f32.s32 v3;
	v1 =	vadd.s32 v1, v0  }
0x22: {  	v63 =	vtrunc.f32 v5;
	[tilespmem:$0xA0] =	vst v1;
	v1 =	vadd.s32 v2, v0;
	v2 =	vcvt.f32.s32 v4  }
0x23: {  	[tilespmem:$0xB0] =	vst v1;
	v1 =	vadd.s32 v3, v0;
	v3 =	vcvt.f32.s32 v63  }
0x24: {  	[tilespmem:$0xC0] =	vst v1;
	v1 =	vadd.s32 v2, v0  }
0x25: {  	[tilespmem:$0xD0] =	vst v1;
	v1 =	vadd.s32 v3, v0  }
0x26: {  	[tilespmem:$0xE0] =	vst v1  }
0x27: {  	[tilespmem:s13], [sflag:$0x2] =	stream.linear.gather [hbm4b:s6+s2], $0x4E20, $0x38;
	[tilespmem:$0x6F40] =	vst v63  }
0x28: {  	_ =	swait.ge [sflag:s11], $0x4E20  }
0x29: {  	[sflag:s11] =	ssyncset.done $0x0  }
0x2a: {  	[sflag:s11] =	ssyncadd.s32 $0xFFFFB1E0  }
0x2b: {  	v1 =	vld [tilespmem:$0xA0];
	_ =	sdelay $0x4  }
0x2c: {  	v1 =	vmul.u32 $0x32, v1;
	_ =	sdelay $0x1  }
0x2d: {  	s19 =	simm.s32 $0x110;
	v1 =	vadd.s32 s2, v1  }
0x2e: {  	[tilespmem:s19+$0xFFFFFFE0] =	vst v1  }
0x2f: {  	v1 =	vld [tilespmem:$0xB0];
	_ =	sdelay $0x4  }
0x30: {  	v1 =	vmul.u32 $0x32, v1;
	_ =	sdelay $0x1  }
0x31: {  	v1 =	vadd.s32 s2, v1  }
0x32: {  	[tilespmem:s19+$0xFFFFFFF0] =	vst v1  }
0x33: {  	v1 =	vld [tilespmem:$0xC0];
	_ =	sdelay $0x4  }
0x34: {  	v1 =	vmul.u32 $0x32, v1;
	_ =	sdelay $0x1  }
0x35: {  	v1 =	vadd.s32 s2, v1  }
0x36: {  	[tilespmem:s19+$0x0] =	vst v1  }
0x37: {  	v1 =	vld [tilespmem:$0xD0];
	_ =	sdelay $0x4  }
0x38: {  	v1 =	vmul.u32 $0x32, v1;
	_ =	sdelay $0x1  }
0x39: {  	v1 =	vadd.s32 s2, v1  }
0x3a: {  	[tilespmem:s19+$0x10] =	vst v1  }
0x3b: {  	v1 =	vld [tilespmem:$0xE0];
	_ =	sdelay $0x4  }
0x3c: {  	v1 =	vmul.u32 $0x32, v1;
	_ =	sdelay $0x1  }
0x3d: {  	v1 =	vadd.s32 s2, v1  }
0x3e: {  	[tilespmem:s19+$0x20] =	vst v1  }
0x3f: {  	s20 =	simm.s32 $0x1;
	s21 =	simm.s32 $0x2;
	v1 =	vld [tilespmem:$0xA0]  }
.LBB2_2:
0x40: {  	p0 =	sne.s32 s21, $0x31;
	_ =	sdelay $0x3  }
0x41: {  	v1 =	vmul.u32 $0x32, v1;
	_ =	sdelay $0x1  }
0x42: {  	s19 =	sadd.s32 $0x50, s19;
	v1 =	vadd.s32 s20, v1  }
0x43: {  	[tilespmem:s19+$0xFFFFFFE0] =	vst v1  }
0x44: {  	v1 =	vld [tilespmem:$0xB0];
	_ =	sdelay $0x4  }
0x45: {  	v1 =	vmul.u32 $0x32, v1;
	_ =	sdelay $0x1  }
0x46: {  	v1 =	vadd.s32 s20, v1  }
0x47: {  	[tilespmem:s19+$0xFFFFFFF0] =	vst v1  }
0x48: {  	v1 =	vld [tilespmem:$0xC0];
	_ =	sdelay $0x4  }
0x49: {  	v1 =	vmul.u32 $0x32, v1;
	_ =	sdelay $0x1  }
0x4a: {  	v1 =	vadd.s32 s20, v1  }
0x4b: {  	[tilespmem:s19+$0x0] =	vst v1  }
0x4c: {  	v1 =	vld [tilespmem:$0xD0];
	_ =	sdelay $0x4  }
0x4d: {  	v1 =	vmul.u32 $0x32, v1;
	_ =	sdelay $0x1  }
0x4e: {  	v1 =	vadd.s32 s20, v1  }
0x4f: {  	[tilespmem:s19+$0x10] =	vst v1  }
0x50: {  	v1 =	vld [tilespmem:$0xE0];
	_ =	sdelay $0x4  }
.Ltmp0:
0x51: {  	v1 =	vmul.u32 $0x32, v1;
	(pc) =	sbr.rel @p0 .LBB2_2-.Ltmp0, $4  }
0x52: {  	_ = 	snop  }
0x53: {  	v1 =	vadd.s32 s20, v1;
	s20 =	smov.u32 s21  }
0x54: {  	[tilespmem:s19+$0x20] =	vst v1  }
0x55: {  	s21 =	sadd.s32 $0x1, s21;
	v1 =	vld [tilespmem:$0xA0]  }
0x56: {  	_ =	sdelay $0x3  }
0x57: {  	v1 =	vmul.u32 $0x32, v1;
	_ =	sdelay $0x1  }
0x58: {  	s19 =	sadd.s32 $0x50, s19;
	v1 =	vadd.s32 s20, v1  }
0x59: {  	[tilespmem:s19+$0xFFFFFFE0] =	vst v1  }
0x5a: {  	v1 =	vld [tilespmem:$0xB0];
	_ =	sdelay $0x4  }
0x5b: {  	v1 =	vmul.u32 $0x32, v1;
	_ =	sdelay $0x1  }
0x5c: {  	v1 =	vadd.s32 s20, v1  }
0x5d: {  	[tilespmem:s19+$0xFFFFFFF0] =	vst v1  }
0x5e: {  	v1 =	vld [tilespmem:$0xC0];
	_ =	sdelay $0x4  }
0x5f: {  	v1 =	vmul.u32 $0x32, v1;
	_ =	sdelay $0x1  }
0x60: {  	v1 =	vadd.s32 s20, v1  }
0x61: {  	[tilespmem:s19+$0x0] =	vst v1  }
0x62: {  	v1 =	vld [tilespmem:$0xD0];
	_ =	sdelay $0x4  }
0x63: {  	v1 =	vmul.u32 $0x32, v1;
	_ =	sdelay $0x1  }
0x64: {  	v1 =	vadd.s32 s20, v1  }
0x65: {  	[tilespmem:s19+$0x10] =	vst v1  }
0x66: {  	v1 =	vld [tilespmem:$0xE0];
	_ =	sdelay $0x4  }
0x67: {  	v1 =	vmul.u32 $0x32, v1;
	_ =	sdelay $0x1  }
0x68: {  	v1 =	vadd.s32 s20, v1  }
0x69: {  	s21 =	simm.s32 $0xF0;
	s20 =	simm.s32 $0x5EB0;
	[tilespmem:s19+$0x20] =	vst v1;
	s19 =	simm.s32 $0x140  }
.LBB2_4:
0x6a: {  	[tilespmem:s20], [sflag:$0x1] =	stream.indirect.gather [hbm4b:s3+s12], $0x1, s21, s12, $0xb8;
	[tilespmem:$0x6F40] =	vst v63  }
0x6b: {  	s20 =	smov.u32 s19;
	p0 =	sne.s32 s19, $0x3D40  }
.Ltmp1:
0x6c: {  	s19 =	sadd.s32 $0x140, s19;
	(pc) =	sbr.rel @p0 .LBB2_4-.Ltmp1, $3  }
0x6d: {  	_ =	sdelay $0x1  }
0x6e: {  	s21 =	sshra.s32 s20, $0x2  }
0x6f: {  	s20 =	sadd.s32 $0x5EB0, s21;
	s21 =	sadd.s32 $0xF0, s21  }
0x70: {  	[tilespmem:s20], [sflag:$0x1] =	stream.indirect.gather [hbm4b:s3+s12], $0x1, s21, s12, $0xb8;
	[tilespmem:$0x6F40] =	vst v63  }
0x71: {  	_ =	swait.ge [sflag:s14], $0xFA0  }
0x72: {  	[sflag:s14] =	ssyncset.done $0x0  }
0x73: {  	[sflag:s14] =	ssyncadd.s32 $0xFFFFF060  }
0x74: {  	v1 =	vld [tilespmem:$0x0];
	_ =	sdelay $0x4  }
0x75: {  	v1 =	vtrunc.f32 v1  }
0x76: {  	s19 =	simm.s32 $0x5EB0;
	v3 =	vcvt.f32.s32 v1  }
0x77: {  	v1 =	vld [tilespmem:s19+$0x0];
	_ =	sdelay $0x2  }
0x78: {  	s31 =	simm.s32 $0x0  }
0x79: {  	v4 =	vimm.f32 $-Inf;
	s20 =	scvt.s32.f32 s31;
	v2 =	vld [tilespmem:$0x50]  }
0x7a: {  	v5 =	vimm.f32 $0.0e+00;
	s21 =	simm.s32 $0x5F00;
	s19 =	simm.s32 $0x1;
	vm0 =	vgt.f32 v1, v4;
	v3 =	vld.idx.msk [tilespmem:v3+s13+$0x0], $0xffff  }
.LBB2_6:
0x7b: {  	p0 =	sne.s32 s19, $0x31;
	v4 =	vsel vm0, v1, v4;
	v1 =	vld [tilespmem:s21+$0x0];
	v5 =	vsel vm0, s20, v5;
	s20 =	smov.u32 s19;
	s19 =	sadd.s32 $0x1, s19  }
.Ltmp2:
0x7c: {  	(pc) =	sbr.rel @p0 .LBB2_6-.Ltmp2, $3  }
0x7d: {  	_ =	sdelay $0x1  }
0x7e: {  	s20 =	scvt.s32.f32 s20  }
0x7f: {  	s21 =	sadd.s32 $0x50, s21;
	vm0 =	vgt.f32 v1, v4  }
0x80: {  	v6 =	vld [tilespmem:$0x10];
	_ =	sdelay $0x1  }
0x81: {  	vm1 =	vgt.f32 v2, $0.0e+00  }
0x82: {  	v1 =	vsel vm0, v1, v4;
	v2 =	vnsel vm1, $0xBF800000, v3  }
0x83: {  	v3 =	vsel vm0, s20, v5;
	v1 =	vnsel vm1, $0xBF800000, v1;
	[tilespmem:$0x6E50] =	vst v2  }
0x84: {  	[tilespmem:$0x6EA0] =	vst v1;
	v1 =	vnsel vm1, $0xBF800000, v3;
	v2 =	vtrunc.f32 v6  }
0x85: {  	s19 =	simm.s32 $0x5EC0;
	[tilespmem:$0x6EF0] =	vst v1;
	v5 =	vcvt.f32.s32 v2  }
0x86: {  	v1 =	vld [tilespmem:s19+$0x0];
	_ =	sdelay $0x2  }
0x87: {  	s31 =	simm.s32 $0x0  }
0x88: {  	v4 =	vimm.f32 $-Inf;
	s20 =	scvt.s32.f32 s31;
	v2 =	vld [tilespmem:$0x60]  }
0x89: {  	s21 =	simm.s32 $0x5F10;
	v3 =	vimm.f32 $0.0e+00;
	s19 =	simm.s32 $0x1;
	vm0 =	vgt.f32 v1, v4;
	v5 =	vld.idx.msk [tilespmem:v5+s13+$0x0], $0xffff  }
.LBB2_8:
0x8a: {  	p0 =	sne.s32 s19, $0x31;
	v4 =	vsel vm0, v1, v4;
	v1 =	vld [tilespmem:s21+$0x0];
	v3 =	vsel vm0, s20, v3;
	s20 =	smov.u32 s19;
	s19 =	sadd.s32 $0x1, s19  }
.Ltmp3:
0x8b: {  	(pc) =	sbr.rel @p0 .LBB2_8-.Ltmp3, $3  }
0x8c: {  	_ =	sdelay $0x1  }
0x8d: {  	s20 =	scvt.s32.f32 s20  }
0x8e: {  	s21 =	sadd.s32 $0x50, s21;
	vm0 =	vgt.f32 v1, v4  }
0x8f: {  	v6 =	vld [tilespmem:$0x20];
	_ =	sdelay $0x1  }
0x90: {  	vm1 =	vgt.f32 v2, $0.0e+00  }
0x91: {  	v1 =	vsel vm0, v1, v4;
	v2 =	vnsel vm1, $0xBF800000, v5  }
0x92: {  	v3 =	vsel vm0, s20, v3;
	v1 =	vnsel vm1, $0xBF800000, v1;
	[tilespmem:$0x6E60] =	vst v2  }
0x93: {  	[tilespmem:$0x6EB0] =	vst v1;
	v1 =	vnsel vm1, $0xBF800000, v3;
	v2 =	vtrunc.f32 v6  }
0x94: {  	s19 =	simm.s32 $0x5ED0;
	[tilespmem:$0x6F00] =	vst v1;
	v5 =	vcvt.f32.s32 v2  }
0x95: {  	v1 =	vld [tilespmem:s19+$0x0];
	_ =	sdelay $0x2  }
0x96: {  	s31 =	simm.s32 $0x0  }
0x97: {  	v4 =	vimm.f32 $-Inf;
	s20 =	scvt.s32.f32 s31;
	v2 =	vld [tilespmem:$0x70]  }
0x98: {  	s21 =	simm.s32 $0x5F20;
	v3 =	vimm.f32 $0.0e+00;
	s19 =	simm.s32 $0x1;
	vm0 =	vgt.f32 v1, v4;
	v5 =	vld.idx.msk [tilespmem:v5+s13+$0x0], $0xffff  }
.LBB2_10:
0x99: {  	p0 =	sne.s32 s19, $0x31;
	v4 =	vsel vm0, v1, v4;
	v1 =	vld [tilespmem:s21+$0x0];
	v3 =	vsel vm0, s20, v3;
	s20 =	smov.u32 s19;
	s19 =	sadd.s32 $0x1, s19  }
.Ltmp4:
0x9a: {  	(pc) =	sbr.rel @p0 .LBB2_10-.Ltmp4, $3  }
0x9b: {  	_ =	sdelay $0x1  }
0x9c: {  	s20 =	scvt.s32.f32 s20  }
0x9d: {  	s21 =	sadd.s32 $0x50, s21;
	vm0 =	vgt.f32 v1, v4  }
0x9e: {  	v6 =	vld [tilespmem:$0x30];
	_ =	sdelay $0x1  }
0x9f: {  	vm1 =	vgt.f32 v2, $0.0e+00  }
0xa0: {  	v1 =	vsel vm0, v1, v4;
	v2 =	vnsel vm1, $0xBF800000, v5  }
0xa1: {  	v3 =	vsel vm0, s20, v3;
	v1 =	vnsel vm1, $0xBF800000, v1;
	[tilespmem:$0x6E70] =	vst v2  }
0xa2: {  	[tilespmem:$0x6EC0] =	vst v1;
	v1 =	vnsel vm1, $0xBF800000, v3;
	v2 =	vtrunc.f32 v6  }
0xa3: {  	s19 =	simm.s32 $0x5EE0;
	[tilespmem:$0x6F10] =	vst v1;
	v5 =	vcvt.f32.s32 v2  }
0xa4: {  	v1 =	vld [tilespmem:s19+$0x0];
	_ =	sdelay $0x2  }
0xa5: {  	s31 =	simm.s32 $0x0  }
0xa6: {  	v4 =	vimm.f32 $-Inf;
	s20 =	scvt.s32.f32 s31;
	v2 =	vld [tilespmem:$0x80]  }
0xa7: {  	s21 =	simm.s32 $0x5F30;
	v3 =	vimm.f32 $0.0e+00;
	s19 =	simm.s32 $0x1;
	vm0 =	vgt.f32 v1, v4;
	v5 =	vld.idx.msk [tilespmem:v5+s13+$0x0], $0xffff  }
.LBB2_12:
0xa8: {  	p0 =	sne.s32 s19, $0x31;
	v4 =	vsel vm0, v1, v4;
	v1 =	vld [tilespmem:s21+$0x0];
	v3 =	vsel vm0, s20, v3;
	s20 =	smov.u32 s19;
	s19 =	sadd.s32 $0x1, s19  }
.Ltmp5:
0xa9: {  	(pc) =	sbr.rel @p0 .LBB2_12-.Ltmp5, $3  }
0xaa: {  	_ =	sdelay $0x1  }
0xab: {  	s20 =	scvt.s32.f32 s20  }
0xac: {  	s21 =	sadd.s32 $0x50, s21;
	vm0 =	vgt.f32 v1, v4  }
0xad: {  	v6 =	vld [tilespmem:$0x40];
	_ =	sdelay $0x1  }
0xae: {  	vm1 =	vgt.f32 v2, $0.0e+00  }
0xaf: {  	v1 =	vsel vm0, v1, v4;
	v2 =	vnsel vm1, $0xBF800000, v5  }
0xb0: {  	v3 =	vsel vm0, s20, v3;
	v1 =	vnsel vm1, $0xBF800000, v1;
	[tilespmem:$0x6E80] =	vst v2  }
0xb1: {  	[tilespmem:$0x6ED0] =	vst v1;
	v1 =	vnsel vm1, $0xBF800000, v3;
	v2 =	vtrunc.f32 v6  }
0xb2: {  	s19 =	simm.s32 $0x5EF0;
	[tilespmem:$0x6F20] =	vst v1;
	v5 =	vcvt.f32.s32 v2  }
0xb3: {  	v1 =	vld [tilespmem:s19+$0x0];
	_ =	sdelay $0x2  }
0xb4: {  	s31 =	simm.s32 $0x0  }
0xb5: {  	v4 =	vimm.f32 $-Inf;
	s21 =	scvt.s32.f32 s31;
	v2 =	vld [tilespmem:$0x90]  }
0xb6: {  	s20 =	simm.s32 $0x5F40;
	v3 =	vimm.f32 $0.0e+00;
	s19 =	simm.s32 $0x1;
	vm0 =	vgt.f32 v1, v4;
	v5 =	vld.idx.msk [tilespmem:v5+s13+$0x0], $0xffff  }
.LBB2_14:
0xb7: {  	p0 =	sne.s32 s19, $0x31;
	v4 =	vsel vm0, v1, v4;
	v1 =	vld [tilespmem:s20+$0x0];
	v3 =	vsel vm0, s21, v3;
	s21 =	smov.u32 s19;
	s19 =	sadd.s32 $0x1, s19  }
.Ltmp6:
0xb8: {  	(pc) =	sbr.rel @p0 .LBB2_14-.Ltmp6, $3  }
0xb9: {  	_ =	sdelay $0x1  }
0xba: {  	s21 =	scvt.s32.f32 s21  }
0xbb: {  	s20 =	sadd.s32 $0x50, s20;
	vm0 =	vgt.f32 v1, v4  }
0xbc: {  	vm1 =	vgt.f32 v2, $0.0e+00  }
0xbd: {  	v1 =	vsel vm0, v1, v4;
	v2 =	vnsel vm1, $0xBF800000, v5  }
0xbe: {  	v3 =	vsel vm0, s21, v3;
	v1 =	vnsel vm1, $0xBF800000, v1;
	[tilespmem:$0x6E90] =	vst v2  }
0xbf: {  	[tilespmem:$0x6EE0] =	vst v1;
	v1 =	vnsel vm1, $0xBF800000, v3  }
0xc0: {  	[tilespmem:$0x6F30] =	vst v1  }
0xc1: {  	[hbm4b:s7+s2] =	stream.linear.scatter [tilespmem:s15], [sflag:$0x2], $0x50, $0x38;
	[tilespmem:$0x6F40] =	vst v63  }
0xc2: {  	_ =	swait.ge [sflag:s11], $0x50  }
0xc3: {  	[sflag:s11] =	ssyncset.done $0x0  }
0xc4: {  	[sflag:s11] =	ssyncadd.s32 $0xFFFFFFB0  }
0xc5: {  	[hbm4b:s8+s2] =	stream.linear.scatter [tilespmem:s16], [sflag:$0x2], $0x50, $0x38;
	[tilespmem:$0x6F40] =	vst v63  }
0xc6: {  	s18 =	sadd.s32 $0x1, s18;
	_ =	swait.ge [sflag:s11], $0x50  }
0xc7: {  	p0 =	sne.s32 s18, s10;
	[sflag:s11] =	ssyncset.done $0x0  }
.Ltmp7:
0xc8: {  	[sflag:s11] =	ssyncadd.s32 $0xFFFFFFB0;
	(pc) =	sbr.rel @p0 .LBB2_1-.Ltmp7, $4  }
0xc9: {  	[hbm4b:s9+s2] =	stream.linear.scatter [tilespmem:s17], [sflag:$0x2], $0x50, $0x38;
	[tilespmem:$0x6F40] =	vst v63  }
0xca: {  	_ =	swait.ge [sflag:s11], $0x50  }
0xcb: {  	[sflag:s11] =	ssyncset.done $0x0  }
0xcc: {  	[sflag:s11] =	ssyncadd.s32 $0xFFFFFFB0  }
0xcd: {  	_ =	sfence.sel $0x180000  }
0xce: {  	[bflag:$0x0] =	sbarrier.arrive $0xFFFF  }
0xcf: {  	p0 =	sne.s32 s1, $0x0;
	_ =	strace $0x90000047  }
0xd0: {  	s0 =	sadd.s32 @!p0 $0x100000, s0;
	[bflag:$0x2] =	sbarrier.arrive $0xFFFF  }
0xd1: {  	[sflag:s0] =	ssyncadd.tile.s32 @!p0 $0x1;
	_ =	shalt  }
.Lfunc_end2:
_tile_overlayer_lowered:
.L_overlay_start_2:
0xd2: {  	(tag) =	ssettag $0x2  }
0xd3: {  	s0 =	rddreg [dreg:$0x0];
	s2 =	stileid.u32  }
0xd4: {  	s1 =	rddreg [dreg:$0x1];
	p0 =	sne.s32 s2, $0x0  }
0xd5: {  	s3 =	rddreg [dreg:$0x2];
	[bflag:$0x3] =	sbarrier.arrive $0xFFFF;
	s2 =	simm.s32 @!p0 $0x1C02  }
0xd6: {  	[timem:s3], [sflag:s2] =	dma.local @!p0 [hbm:s0], s1  }
0xd7: {  	s0 =	simm.s32 @!p0 $0x2  }
0xd8: {  	_ =	swait.ge @!p0 [sflag:s0], s1  }
0xd9: {  	s1 =	ssub.s32 @!p0 $0x0, s1;
	[sflag:s0] =	ssyncset.done @!p0 $0x0  }
0xda: {  	[sflag:s0] =	ssyncadd.s32 @!p0 s1  }
0xdb: {  	[bflag:$0x3] =	sbarrier.arrive $0xFFFF  }
0xdc: {  	_ =	shalt  }

</sc_bundles>
